<compile_context>
chip_gen: v7x
topology: tpu7x:2x2x1
jax: 0.10.2.dev20260603
libtpu: 0.0.44.dev20260713+nightly
codegen_flags: <defaults>
</compile_context>

<pallas_src>
import functools
import math

import jax
import jax.numpy as jnp
import numpy as np
from jax import lax
from jax.experimental import pallas as pl
from jax.experimental.pallas import tpu as pltpu
from jax.experimental.pallas import tpu_sc as plsc

_LMAX = 6
_MMAX = 2
_SIZE = (_LMAX + 1) ** 2
_N = sum(2 * min(_MMAX, l) + 1 for l in range(_LMAX + 1))
_FLAT = _SIZE * _N
_NC, _NS = 1, 16
_NW = _NC * _NS
_NVEC = -(-_FLAT // 16)
_VPW = -(-_NVEC // _NW)
_CHUNK = _VPW * 16
_FULL = _FLAT // _CHUNK
_TAIL = _FLAT - _FULL * _CHUNK
_IDX_WRITER = _FULL + 1 if _FULL + 1 < _NW else 0

_OFF_LH = 16
_OFF_MH = 48
_PACKED = 80

_FACTORS = [math.sqrt((2 * l + 1) / (2 * _MMAX + 1))
            for l in range(_LMAX + 1)]


def _sc_body(packed_hbm, idx_out_hbm, flat_out_hbm, packed_v, idx_v, out_v):
    wid = lax.axis_index("s") * _NC + lax.axis_index("c")

    pltpu.sync_copy(packed_hbm, packed_v)

    iota = lax.iota(jnp.int32, 16)
    zeros = jnp.zeros((16,), jnp.int32)
    imin = jnp.int32(-2147483648)
    head = packed_v[pl.ds(0, 16)]

    def splat(lane_eq):
        c = plsc.cummax(jnp.where(iota == lane_eq, head, imin))
        return jnp.maximum(c, lax.rev(c, (0,)))

    lmaxv = splat(0)
    mmaxv = splat(1)
    idx_v[pl.ds(0, 16)] = zeros
    idx_v[pl.ds(16, 16)] = zeros

    total = jnp.int32(0)
    for chunk in range(2):
        ids = iota + chunk * 16
        lv = packed_v[pl.ds(_OFF_LH + chunk * 16, 16)]
        mv = packed_v[pl.ds(_OFF_MH + chunk * 16, 16)]
        mask = (ids < _N) & (lv <= lmaxv) & (mv <= mmaxv)
        mi = mask.astype(jnp.int32)
        pos = plsc.cumsum(mi) - 1 + total
        plsc.store_scatter(idx_v, [pos], ids, mask=mask)
        total = total + jnp.sum(mi)

    def harmonic_l(x):
        acc = (x >= 1).astype(jnp.int32)
        for k in range(2, _LMAX + 1):
            acc = acc + (x >= k * k).astype(jnp.int32)
        return acc

    for vi in range(_VPW):
        t = iota + (wid * _VPW + vi) * 16
        t = jnp.minimum(t, _FLAT - 1)
        row = t // _N
        col = t - row * _N
        cidx = plsc.load_gather(idx_v, [col])
        lr = harmonic_l(row)
        lc = harmonic_l(cidx)
        fval = jnp.float32(_FACTORS[_LMAX])
        for l in range(_LMAX - 1, _MMAX, -1):
            fval = jnp.where(lr == l, jnp.float32(_FACTORS[l]), fval)
        val = jnp.where((lr == lc) & (lr > _MMAX), fval, jnp.float32(1.0))
        out_v[pl.ds(vi * 16, 16)] = val

    @pl.when(wid < _FULL)
    def _():
        pltpu.sync_copy(out_v, flat_out_hbm.at[pl.ds(wid * _CHUNK, _CHUNK)])

    @pl.when(wid == _FULL)
    def _():
        pltpu.sync_copy(out_v.at[pl.ds(0, _TAIL)],
                        flat_out_hbm.at[pl.ds(_FULL * _CHUNK, _TAIL)])

    @pl.when(wid == _IDX_WRITER)
    def _():
        pltpu.sync_copy(idx_v.at[pl.ds(0, _N)], idx_out_hbm)


@functools.lru_cache(maxsize=None)
def _get_sc_kernel():
    mesh = plsc.VectorSubcoreMesh(
        core_axis_name="c", subcore_axis_name="s",
        num_cores=_NC, num_subcores=_NS)
    return pl.kernel(
        _sc_body,
        out_type=(
            jax.ShapeDtypeStruct((_N,), jnp.int32),
            jax.ShapeDtypeStruct((_FLAT,), jnp.float32),
        ),
        mesh=mesh,
        scratch_types=[
            pltpu.VMEM((_PACKED,), jnp.int32),
            pltpu.VMEM((32,), jnp.int32),
            pltpu.VMEM((_CHUNK,), jnp.float32),
        ],
        compiler_params=pltpu.CompilerParams(
            needs_layout_passes=False, skip_device_barrier=True),
    )


_PAD14 = np.zeros((14,), dtype=np.int32)
_PAD3 = np.zeros((32 - _N,), dtype=np.int32)


def kernel(lmax, mmax, l_harmonic, m_harmonic):
    packed = jnp.concatenate([
        jnp.stack([jnp.asarray(lmax, jnp.int32),
                   jnp.asarray(mmax, jnp.int32)]),
        jnp.asarray(_PAD14),
        l_harmonic.astype(jnp.int32), jnp.asarray(_PAD3),
        m_harmonic.astype(jnp.int32), jnp.asarray(_PAD3),
    ])
    mask_indices, flat = _get_sc_kernel()(packed)
    return (mask_indices, flat.reshape(1, _SIZE, _N))

# --- scband reference (transcript-rebuilt; emitter-appended) ---
"""Pipeline reference for scband-coefficient-mapping-module-48275432407135 (READ-ONLY COPY).

The authoritative reference and input builder live on the scoring server;
editing this copy changes nothing except your own understanding.
"""

import jax, jax.numpy as jnp
import numpy as np
import math

LMAX_LIST = [6]
MMAX_LIST = [2]


def _build_harmonics():
    l_h = []
    m_h = []
    for i in range(len(LMAX_LIST)):
        for l in range(LMAX_LIST[i] + 1):
            mmax = min(MMAX_LIST[i], l)
            m = np.arange(-mmax, mmax + 1, dtype=np.int64)
            m_h.append(np.abs(m))
            l_h.append(np.full_like(m, l))
    l_harmonic = jnp.asarray(np.concatenate(l_h))
    m_harmonic = jnp.asarray(np.concatenate(m_h))
    return l_harmonic, m_harmonic


def setup_inputs() -> dict:
    l_harmonic, m_harmonic = _build_harmonics()
    return {
        "lmax": 6,
        "mmax": 2,
        "l_harmonic": l_harmonic,
        "m_harmonic": m_harmonic,
    }


def reference(lmax, mmax, l_harmonic, m_harmonic):
    # coefficient_idx: masked select of coefficient indices with l <= lmax and |m| <= mmax
    mask = jnp.logical_and(l_harmonic <= lmax, m_harmonic <= mmax)
    mask_indices = jnp.nonzero(mask, size=mask.shape[0], fill_value=0)[0]
    # get_rotate_inv_rescale: build (1, (lmax+1)^2, (lmax+1)^2) rescale matrix, then gather columns
    lmax_static = LMAX_LIST[0]
    mmax_static = MMAX_LIST[0]
    size = (lmax_static + 1) ** 2
    r = np.ones((1, size, size), dtype=np.float32)
    for l in range(lmax_static + 1):
        if l <= mmax_static:
            continue
        start_idx = l * l
        length = 2 * l + 1
        rescale_factor = math.sqrt(length / (2 * mmax_static + 1))
        r[:, start_idx:start_idx + length, start_idx:start_idx + length] = rescale_factor
    rotate_inv_rescale = jnp.asarray(r)[:, :, mask_indices]
    return (mask_indices, rotate_inv_rescale)

if __name__ == "__main__":
    import jax
    _d = setup_inputs()
    print(jax.jit(kernel)(*tuple(_d.values())))

</pallas_src>

<mosaic_0001>
#map = affine_map<(d0, d1) -> (0)>
module attributes {stable_mosaic.version = 14 : i64} {
  func.func @_sc_body(%arg0: i32, %arg1: i32, %arg2: memref<80xi32, #tpu.memory_space<hbm>>, %arg3: memref<29xi32, #tpu.memory_space<hbm>>, %arg4: memref<1421xf32, #tpu.memory_space<hbm>>, %arg5: memref<80xi32, #tpu.memory_space<vmem>>, %arg6: memref<32xi32, #tpu.memory_space<vmem>>, %arg7: memref<96xf32, #tpu.memory_space<vmem>>) attributes {dimension_semantics = [#tpu.dimension_semantics<core_parallel>, #tpu.dimension_semantics<subcore_parallel>], iteration_bounds = array<i64: 1, 16>, scalar_prefetch = 0 : i64, scratch_operands = 3 : i64, tpu.core_type = #tpu.core_type<sc_vector_subcore>, window_params = [{transform_indices = #map}, {transform_indices = #map}, {transform_indices = #map}]} {
    %mul3A = arith.constant 1 : i32
    %mul3A_0 = arith.muli %arg1, %mul3A : i32
    %add3A = arith.addi %mul3A_0, %arg0 : i32
    "tpu.region"() ({
      %run_scoped3A = tpu.sem_alloc : memref<!tpu.dma_semaphore, #tpu.memory_space<semaphore_mem>>
      tpu.enqueue_dma source(%arg2 : memref<80xi32, #tpu.memory_space<hbm>>) target(%arg5 : memref<80xi32, #tpu.memory_space<vmem>>) target_semaphore(%run_scoped3A : memref<!tpu.dma_semaphore, #tpu.memory_space<semaphore_mem>>)
      tpu.wait_dma2 semaphore(%run_scoped3A : memref<!tpu.dma_semaphore, #tpu.memory_space<semaphore_mem>>) src(%arg2 : memref<80xi32, #tpu.memory_space<hbm>>) dst(%arg5 : memref<80xi32, #tpu.memory_space<vmem>>)
      tpu.yield
    }) : () -> ()
    %iota3A = tpu.iota {dimensions = array<i32: 0>} : vector<16xi32>
    %broadcast_in_dim3A = arith.constant 0 : i32
    %broadcast_in_dim3A_1 = vector.broadcast %broadcast_in_dim3A : i32 to vector<16xi32>
    %get3A = arith.constant 0 : index
    %get3A_2 = tpu.vector_load %arg5[%get3A] {strides = array<i32>} : memref<80xi32, #tpu.memory_space<vmem>>, vector<16xi32>,
    %eq3A = arith.constant 0 : i32
    %eq3A_3 = vector.broadcast %eq3A : i32 to vector<16xi32>
    %eq3A_4 = arith.cmpi eq, %iota3A, %eq3A_3 : vector<16xi32>
    %jit3A = arith.constant -2147483648 : i32
    %broadcast_in_dim3A_5 = vector.broadcast %jit3A : i32 to vector<16xi32>
    %select_n3A = arith.select %eq3A_4, %get3A_2, %broadcast_in_dim3A_5 : vector<16xi1>, vector<16xi32>
    %broadcast_in_dim3A_6 = arith.constant true
    %broadcast_in_dim3A_7 = vector.broadcast %broadcast_in_dim3A_6 : i1 to vector<16xi1>
    %masked_cummax3A = arith.constant -2147483648 : i32
    %masked_cummax3A_8 = vector.broadcast %masked_cummax3A : i32 to vector<16xi32>
    %masked_cummax3A_9 = arith.xori %select_n3A, %masked_cummax3A_8 : vector<16xi32>
    %masked_cummax3A_10 = tpu.scan <max>, %masked_cummax3A_9 masked %broadcast_in_dim3A_7 : vector<16xi32>, vector<16xi1> -> vector<16xi32>
    %masked_cummax3A_11 = arith.xori %masked_cummax3A_10, %masked_cummax3A_8 : vector<16xi32>
    %rev3A = arith.constant 15 : i32
    %rev3A_12 = vector.broadcast %rev3A : i32 to vector<16xi32>
    %rev3A_13 = tpu.iota {dimensions = array<i32: 0>} : vector<16xi32>
    %rev3A_14 = arith.subi %rev3A_12, %rev3A_13 : vector<16xi32>
    %rev3A_15 = tpu.dynamic_gather %masked_cummax3A_11[%rev3A_14] in [0] : vector<16xi32>, vector<16xi32> -> vector<16xi32>
    %max3A = arith.maxsi %masked_cummax3A_11, %rev3A_15 : vector<16xi32>
    %eq3A_16 = arith.constant 1 : i32
    %eq3A_17 = vector.broadcast %eq3A_16 : i32 to vector<16xi32>
    %eq3A_18 = arith.cmpi eq, %iota3A, %eq3A_17 : vector<16xi32>
    %jit3A_19 = arith.constant -2147483648 : i32
    %broadcast_in_dim3A_20 = vector.broadcast %jit3A_19 : i32 to vector<16xi32>
    %select_n3A_21 = arith.select %eq3A_18, %get3A_2, %broadcast_in_dim3A_20 : vector<16xi1>, vector<16xi32>
    %broadcast_in_dim3A_22 = arith.constant true
    %broadcast_in_dim3A_23 = vector.broadcast %broadcast_in_dim3A_22 : i1 to vector<16xi1>
    %masked_cummax3A_24 = arith.constant -2147483648 : i32
    %masked_cummax3A_25 = vector.broadcast %masked_cummax3A_24 : i32 to vector<16xi32>
    %masked_cummax3A_26 = arith.xori %select_n3A_21, %masked_cummax3A_25 : vector<16xi32>
    %masked_cummax3A_27 = tpu.scan <max>, %masked_cummax3A_26 masked %broadcast_in_dim3A_23 : vector<16xi32>, vector<16xi1> -> vector<16xi32>
    %masked_cummax3A_28 = arith.xori %masked_cummax3A_27, %masked_cummax3A_25 : vector<16xi32>
    %rev3A_29 = arith.constant 15 : i32
    %rev3A_30 = vector.broadcast %rev3A_29 : i32 to vector<16xi32>
    %rev3A_31 = tpu.iota {dimensions = array<i32: 0>} : vector<16xi32>
    %rev3A_32 = arith.subi %rev3A_30, %rev3A_31 : vector<16xi32>
    %rev3A_33 = tpu.dynamic_gather %masked_cummax3A_28[%rev3A_32] in [0] : vector<16xi32>, vector<16xi32> -> vector<16xi32>
    %max3A_34 = arith.maxsi %masked_cummax3A_28, %rev3A_33 : vector<16xi32>
    %swap3A = arith.constant 0 : index
    %swap3A_35 = tpu.vector_load %arg6[%swap3A] {strides = array<i32>} : memref<32xi32, #tpu.memory_space<vmem>>, vector<16xi32>,
    tpu.vector_store %arg6[%swap3A], %broadcast_in_dim3A_1 {strides = array<i32>} : memref<32xi32, #tpu.memory_space<vmem>>, vector<16xi32>,
    %swap3A_36 = arith.constant 16 : index
    %swap3A_37 = tpu.vector_load %arg6[%swap3A_36] {strides = array<i32>} : memref<32xi32, #tpu.memory_space<vmem>>, vector<16xi32>,
    tpu.vector_store %arg6[%swap3A_36], %broadcast_in_dim3A_1 {strides = array<i32>} : memref<32xi32, #tpu.memory_space<vmem>>, vector<16xi32>,
    %add3A_38 = arith.constant 0 : i32
    %add3A_39 = vector.broadcast %add3A_38 : i32 to vector<16xi32>
    %add3A_40 = arith.addi %iota3A, %add3A_39 : vector<16xi32>
    %get3A_41 = arith.constant 16 : index
    %get3A_42 = tpu.vector_load %arg5[%get3A_41] {strides = array<i32>} : memref<80xi32, #tpu.memory_space<vmem>>, vector<16xi32>,
    %get3A_43 = arith.constant 48 : index
    %get3A_44 = tpu.vector_load %arg5[%get3A_43] {strides = array<i32>} : memref<80xi32, #tpu.memory_space<vmem>>, vector<16xi32>,
    %lt3A = arith.constant 29 : i32
    %lt3A_45 = vector.broadcast %lt3A : i32 to vector<16xi32>
    %lt3A_46 = arith.cmpi slt, %add3A_40, %lt3A_45 : vector<16xi32>
    %le3A = arith.cmpi sle, %get3A_42, %max3A : vector<16xi32>
    %and3A = arith.andi %lt3A_46, %le3A : vector<16xi1>
    %le3A_47 = arith.cmpi sle, %get3A_44, %max3A_34 : vector<16xi32>
    %and3A_48 = arith.andi %and3A, %le3A_47 : vector<16xi1>
    %convert_element_type3A = arith.extui %and3A_48 : vector<16xi1> to vector<16xi32>
    %broadcast_in_dim3A_49 = arith.constant true
    %broadcast_in_dim3A_50 = vector.broadcast %broadcast_in_dim3A_49 : i1 to vector<16xi1>
    %masked_cumsum3A = tpu.scan <sum>, %convert_element_type3A masked %broadcast_in_dim3A_50 : vector<16xi32>, vector<16xi1> -> vector<16xi32>
    %sub3A = arith.constant 1 : i32
    %sub3A_51 = vector.broadcast %sub3A : i32 to vector<16xi32>
    %sub3A_52 = arith.subi %masked_cumsum3A, %sub3A_51 : vector<16xi32>
    %add3A_53 = arith.constant 0 : i32
    %add3A_54 = vector.broadcast %add3A_53 : i32 to vector<16xi32>
    %add3A_55 = arith.addi %sub3A_52, %add3A_54 : vector<16xi32>
    tpu.vector_store_idx %arg6[%add3A_55], %add3A_40 masked %and3A_48 : memref<32xi32, #tpu.memory_space<vmem>>[vector<16xi32>], vector<16xi32>, vector<16xi1>
    %reduce_sum3A = arith.constant true
    %reduce_sum3A_56 = vector.broadcast %reduce_sum3A : i1 to vector<16xi1>
    %reduce_sum3A_57 = tpu.scan <sum>, %convert_element_type3A masked %reduce_sum3A_56 : vector<16xi32>, vector<16xi1> -> vector<16xi32>
    %reduce_sum3A_58 = vector.extract %reduce_sum3A_57[15] : i32 from vector<16xi32>
    %add3A_59 = arith.constant 0 : i32
    %add3A_60 = arith.addi %add3A_59, %reduce_sum3A_58 : i32
    %add3A_61 = arith.constant 16 : i32
    %add3A_62 = vector.broadcast %add3A_61 : i32 to vector<16xi32>
    %add3A_63 = arith.addi %iota3A, %add3A_62 : vector<16xi32>
    %get3A_64 = arith.constant 32 : index
    %get3A_65 = tpu.vector_load %arg5[%get3A_64] {strides = array<i32>} : memref<80xi32, #tpu.memory_space<vmem>>, vector<16xi32>,
    %get3A_66 = arith.constant 64 : index
    %get3A_67 = tpu.vector_load %arg5[%get3A_66] {strides = array<i32>} : memref<80xi32, #tpu.memory_space<vmem>>, vector<16xi32>,
    %lt3A_68 = arith.constant 29 : i32
    %lt3A_69 = vector.broadcast %lt3A_68 : i32 to vector<16xi32>
    %lt3A_70 = arith.cmpi slt, %add3A_63, %lt3A_69 : vector<16xi32>
    %le3A_71 = arith.cmpi sle, %get3A_65, %max3A : vector<16xi32>
    %and3A_72 = arith.andi %lt3A_70, %le3A_71 : vector<16xi1>
    %le3A_73 = arith.cmpi sle, %get3A_67, %max3A_34 : vector<16xi32>
    %and3A_74 = arith.andi %and3A_72, %le3A_73 : vector<16xi1>
    %convert_element_type3A_75 = arith.extui %and3A_74 : vector<16xi1> to vector<16xi32>
    %broadcast_in_dim3A_76 = arith.constant true
    %broadcast_in_dim3A_77 = vector.broadcast %broadcast_in_dim3A_76 : i1 to vector<16xi1>
    %masked_cumsum3A_78 = tpu.scan <sum>, %convert_element_type3A_75 masked %broadcast_in_dim3A_77 : vector<16xi32>, vector<16xi1> -> vector<16xi32>
    %sub3A_79 = arith.constant 1 : i32
    %sub3A_80 = vector.broadcast %sub3A_79 : i32 to vector<16xi32>
    %sub3A_81 = arith.subi %masked_cumsum3A_78, %sub3A_80 : vector<16xi32>
    %add3A_82 = vector.broadcast %add3A_60 : i32 to vector<16xi32>
    %add3A_83 = arith.addi %sub3A_81, %add3A_82 : vector<16xi32>
    tpu.vector_store_idx %arg6[%add3A_83], %add3A_63 masked %and3A_74 : memref<32xi32, #tpu.memory_space<vmem>>[vector<16xi32>], vector<16xi32>, vector<16xi1>
    %reduce_sum3A_84 = arith.constant true
    %reduce_sum3A_85 = vector.broadcast %reduce_sum3A_84 : i1 to vector<16xi1>
    %reduce_sum3A_86 = tpu.scan <sum>, %convert_element_type3A_75 masked %reduce_sum3A_85 : vector<16xi32>, vector<16xi1> -> vector<16xi32>
    %reduce_sum3A_87 = vector.extract %reduce_sum3A_86[15] : i32 from vector<16xi32>
    %add3A_88 = arith.addi %add3A_60, %reduce_sum3A_87 : i32
    %mul3A_89 = arith.constant 6 : i32
    %mul3A_90 = arith.muli %add3A, %mul3A_89 : i32
    %add3A_91 = arith.constant 0 : i32
    %add3A_92 = arith.addi %mul3A_90, %add3A_91 : i32
    %mul3A_93 = arith.constant 16 : i32
    %mul3A_94 = arith.muli %add3A_92, %mul3A_93 : i32
    %add3A_95 = vector.broadcast %mul3A_94 : i32 to vector<16xi32>
    %add3A_96 = arith.addi %iota3A, %add3A_95 : vector<16xi32>
    %min3A = arith.constant 1420 : i32
    %min3A_97 = vector.broadcast %min3A : i32 to vector<16xi32>
    %min3A_98 = arith.minsi %add3A_96, %min3A_97 : vector<16xi32>
    %jit3A_99 = arith.constant 29 : i32
    %div3A = vector.broadcast %jit3A_99 : i32 to vector<16xi32>
    %div3A_100 = arith.divsi %min3A_98, %div3A : vector<16xi32>
    %sign3A = arith.constant 0 : i32
    %sign3A_101 = vector.broadcast %sign3A : i32 to vector<16xi32>
    %sign3A_102 = arith.cmpi sgt, %min3A_98, %sign3A_101 : vector<16xi32>
    %sign3A_103 = arith.extui %sign3A_102 : vector<16xi1> to vector<16xi32>
    %sign3A_104 = arith.constant 0 : i32
    %sign3A_105 = vector.broadcast %sign3A_104 : i32 to vector<16xi32>
    %sign3A_106 = arith.cmpi slt, %min3A_98, %sign3A_105 : vector<16xi32>
    %sign3A_107 = arith.extui %sign3A_106 : vector<16xi1> to vector<16xi32>
    %sign3A_108 = arith.subi %sign3A_103, %sign3A_107 : vector<16xi32>
    %sign3A_109 = arith.constant 0 : i32
    %sign3A_110 = arith.cmpi sgt, %jit3A_99, %sign3A_109 : i32
    %sign3A_111 = arith.extui %sign3A_110 : i1 to i32
    %sign3A_112 = arith.constant 0 : i32
    %sign3A_113 = arith.cmpi slt, %jit3A_99, %sign3A_112 : i32
    %sign3A_114 = arith.extui %sign3A_113 : i1 to i32
    %sign3A_115 = arith.subi %sign3A_111, %sign3A_114 : i32
    %ne3A = vector.broadcast %sign3A_115 : i32 to vector<16xi32>
    %ne3A_116 = arith.cmpi ne, %sign3A_108, %ne3A : vector<16xi32>
    %rem3A = vector.broadcast %jit3A_99 : i32 to vector<16xi32>
    %rem3A_117 = arith.remsi %min3A_98, %rem3A : vector<16xi32>
    %ne3A_118 = arith.constant 0 : i32
    %ne3A_119 = vector.broadcast %ne3A_118 : i32 to vector<16xi32>
    %ne3A_120 = arith.cmpi ne, %rem3A_117, %ne3A_119 : vector<16xi32>
    %and3A_121 = arith.andi %ne3A_116, %ne3A_120 : vector<16xi1>
    %sub3A_122 = arith.constant 1 : i32
    %sub3A_123 = vector.broadcast %sub3A_122 : i32 to vector<16xi32>
    %sub3A_124 = arith.subi %div3A_100, %sub3A_123 : vector<16xi32>
    %select_n3A_125 = arith.select %and3A_121, %sub3A_124, %div3A_100 : vector<16xi1>, vector<16xi32>
    %mul3A_126 = arith.constant 29 : i32
    %mul3A_127 = vector.broadcast %mul3A_126 : i32 to vector<16xi32>
    %mul3A_128 = arith.muli %select_n3A_125, %mul3A_127 : vector<16xi32>
    %sub3A_129 = arith.subi %min3A_98, %mul3A_128 : vector<16xi32>
    %gather3A = tpu.vector_load_idx %arg6[%sub3A_129] : memref<32xi32, #tpu.memory_space<vmem>>[vector<16xi32>], vector<16xi32>,
    %ge3A = arith.constant 1 : i32
    %ge3A_130 = vector.broadcast %ge3A : i32 to vector<16xi32>
    %ge3A_131 = arith.cmpi sge, %select_n3A_125, %ge3A_130 : vector<16xi32>
    %convert_element_type3A_132 = arith.extui %ge3A_131 : vector<16xi1> to vector<16xi32>
    %ge3A_133 = arith.constant 4 : i32
    %ge3A_134 = vector.broadcast %ge3A_133 : i32 to vector<16xi32>
    %ge3A_135 = arith.cmpi sge, %select_n3A_125, %ge3A_134 : vector<16xi32>
    %convert_element_type3A_136 = arith.extui %ge3A_135 : vector<16xi1> to vector<16xi32>
    %add3A_137 = arith.addi %convert_element_type3A_132, %convert_element_type3A_136 : vector<16xi32>
    %ge3A_138 = arith.constant 9 : i32
    %ge3A_139 = vector.broadcast %ge3A_138 : i32 to vector<16xi32>
    %ge3A_140 = arith.cmpi sge, %select_n3A_125, %ge3A_139 : vector<16xi32>
    %convert_element_type3A_141 = arith.extui %ge3A_140 : vector<16xi1> to vector<16xi32>
    %add3A_142 = arith.addi %add3A_137, %convert_element_type3A_141 : vector<16xi32>
    %ge3A_143 = arith.constant 16 : i32
    %ge3A_144 = vector.broadcast %ge3A_143 : i32 to vector<16xi32>
    %ge3A_145 = arith.cmpi sge, %select_n3A_125, %ge3A_144 : vector<16xi32>
    %convert_element_type3A_146 = arith.extui %ge3A_145 : vector<16xi1> to vector<16xi32>
    %add3A_147 = arith.addi %add3A_142, %convert_element_type3A_146 : vector<16xi32>
    %ge3A_148 = arith.constant 25 : i32
    %ge3A_149 = vector.broadcast %ge3A_148 : i32 to vector<16xi32>
    %ge3A_150 = arith.cmpi sge, %select_n3A_125, %ge3A_149 : vector<16xi32>
    %convert_element_type3A_151 = arith.extui %ge3A_150 : vector<16xi1> to vector<16xi32>
    %add3A_152 = arith.addi %add3A_147, %convert_element_type3A_151 : vector<16xi32>
    %ge3A_153 = arith.constant 36 : i32
    %ge3A_154 = vector.broadcast %ge3A_153 : i32 to vector<16xi32>
    %ge3A_155 = arith.cmpi sge, %select_n3A_125, %ge3A_154 : vector<16xi32>
    %convert_element_type3A_156 = arith.extui %ge3A_155 : vector<16xi1> to vector<16xi32>
    %add3A_157 = arith.addi %add3A_152, %convert_element_type3A_156 : vector<16xi32>
    %ge3A_158 = arith.constant 1 : i32
    %ge3A_159 = vector.broadcast %ge3A_158 : i32 to vector<16xi32>
    %ge3A_160 = arith.cmpi sge, %gather3A, %ge3A_159 : vector<16xi32>
    %convert_element_type3A_161 = arith.extui %ge3A_160 : vector<16xi1> to vector<16xi32>
    %ge3A_162 = arith.constant 4 : i32
    %ge3A_163 = vector.broadcast %ge3A_162 : i32 to vector<16xi32>
    %ge3A_164 = arith.cmpi sge, %gather3A, %ge3A_163 : vector<16xi32>
    %convert_element_type3A_165 = arith.extui %ge3A_164 : vector<16xi1> to vector<16xi32>
    %add3A_166 = arith.addi %convert_element_type3A_161, %convert_element_type3A_165 : vector<16xi32>
    %ge3A_167 = arith.constant 9 : i32
    %ge3A_168 = vector.broadcast %ge3A_167 : i32 to vector<16xi32>
    %ge3A_169 = arith.cmpi sge, %gather3A, %ge3A_168 : vector<16xi32>
    %convert_element_type3A_170 = arith.extui %ge3A_169 : vector<16xi1> to vector<16xi32>
    %add3A_171 = arith.addi %add3A_166, %convert_element_type3A_170 : vector<16xi32>
    %ge3A_172 = arith.constant 16 : i32
    %ge3A_173 = vector.broadcast %ge3A_172 : i32 to vector<16xi32>
    %ge3A_174 = arith.cmpi sge, %gather3A, %ge3A_173 : vector<16xi32>
    %convert_element_type3A_175 = arith.extui %ge3A_174 : vector<16xi1> to vector<16xi32>
    %add3A_176 = arith.addi %add3A_171, %convert_element_type3A_175 : vector<16xi32>
    %ge3A_177 = arith.constant 25 : i32
    %ge3A_178 = vector.broadcast %ge3A_177 : i32 to vector<16xi32>
    %ge3A_179 = arith.cmpi sge, %gather3A, %ge3A_178 : vector<16xi32>
    %convert_element_type3A_180 = arith.extui %ge3A_179 : vector<16xi1> to vector<16xi32>
    %add3A_181 = arith.addi %add3A_176, %convert_element_type3A_180 : vector<16xi32>
    %ge3A_182 = arith.constant 36 : i32
    %ge3A_183 = vector.broadcast %ge3A_182 : i32 to vector<16xi32>
    %ge3A_184 = arith.cmpi sge, %gather3A, %ge3A_183 : vector<16xi32>
    %convert_element_type3A_185 = arith.extui %ge3A_184 : vector<16xi1> to vector<16xi32>
    %add3A_186 = arith.addi %add3A_181, %convert_element_type3A_185 : vector<16xi32>
    %eq3A_187 = arith.constant 5 : i32
    %eq3A_188 = vector.broadcast %eq3A_187 : i32 to vector<16xi32>
    %eq3A_189 = arith.cmpi eq, %add3A_157, %eq3A_188 : vector<16xi32>
    %jit3A_190 = arith.constant 1.48323965 : f32
    %jit3A_191 = arith.constant 1.61245155 : f32
    %broadcast_in_dim3A_192 = vector.broadcast %jit3A_190 : f32 to vector<16xf32>
    %broadcast_in_dim3A_193 = vector.broadcast %jit3A_191 : f32 to vector<16xf32>
    %select_n3A_194 = arith.select %eq3A_189, %broadcast_in_dim3A_192, %broadcast_in_dim3A_193 : vector<16xi1>, vector<16xf32>
    %eq3A_195 = arith.constant 4 : i32
    %eq3A_196 = vector.broadcast %eq3A_195 : i32 to vector<16xi32>
    %eq3A_197 = arith.cmpi eq, %add3A_157, %eq3A_196 : vector<16xi32>
    %jit3A_198 = arith.constant 1.34164083 : f32
    %broadcast_in_dim3A_199 = vector.broadcast %jit3A_198 : f32 to vector<16xf32>
    %select_n3A_200 = arith.select %eq3A_197, %broadcast_in_dim3A_199, %select_n3A_194 : vector<16xi1>, vector<16xf32>
    %eq3A_201 = arith.constant 3 : i32
    %eq3A_202 = vector.broadcast %eq3A_201 : i32 to vector<16xi32>
    %eq3A_203 = arith.cmpi eq, %add3A_157, %eq3A_202 : vector<16xi32>
    %jit3A_204 = arith.constant 1.18321598 : f32
    %broadcast_in_dim3A_205 = vector.broadcast %jit3A_204 : f32 to vector<16xf32>
    %select_n3A_206 = arith.select %eq3A_203, %broadcast_in_dim3A_205, %select_n3A_200 : vector<16xi1>, vector<16xf32>
    %eq3A_207 = arith.cmpi eq, %add3A_157, %add3A_186 : vector<16xi32>
    %gt3A = arith.constant 2 : i32
    %gt3A_208 = vector.broadcast %gt3A : i32 to vector<16xi32>
    %gt3A_209 = arith.cmpi sgt, %add3A_157, %gt3A_208 : vector<16xi32>
    %and3A_210 = arith.andi %eq3A_207, %gt3A_209 : vector<16xi1>
    %jit3A_211 = arith.constant 1.000000e+00 : f32
    %broadcast_in_dim3A_212 = vector.broadcast %jit3A_211 : f32 to vector<16xf32>
    %select_n3A_213 = arith.select %and3A_210, %select_n3A_206, %broadcast_in_dim3A_212 : vector<16xi1>, vector<16xf32>
    %swap3A_214 = arith.constant 0 : index
    %swap3A_215 = tpu.vector_load %arg7[%swap3A_214] {strides = array<i32>} : memref<96xf32, #tpu.memory_space<vmem>>, vector<16xf32>,
    tpu.vector_store %arg7[%swap3A_214], %select_n3A_213 {strides = array<i32>} : memref<96xf32, #tpu.memory_space<vmem>>, vector<16xf32>,
    %mul3A_216 = arith.constant 6 : i32
    %mul3A_217 = arith.muli %add3A, %mul3A_216 : i32
    %add3A_218 = arith.constant 1 : i32
    %add3A_219 = arith.addi %mul3A_217, %add3A_218 : i32
    %mul3A_220 = arith.constant 16 : i32
    %mul3A_221 = arith.muli %add3A_219, %mul3A_220 : i32
    %add3A_222 = vector.broadcast %mul3A_221 : i32 to vector<16xi32>
    %add3A_223 = arith.addi %iota3A, %add3A_222 : vector<16xi32>
    %min3A_224 = arith.constant 1420 : i32
    %min3A_225 = vector.broadcast %min3A_224 : i32 to vector<16xi32>
    %min3A_226 = arith.minsi %add3A_223, %min3A_225 : vector<16xi32>
    %jit3A_227 = arith.constant 29 : i32
    %div3A_228 = vector.broadcast %jit3A_227 : i32 to vector<16xi32>
    %div3A_229 = arith.divsi %min3A_226, %div3A_228 : vector<16xi32>
    %sign3A_230 = arith.constant 0 : i32
    %sign3A_231 = vector.broadcast %sign3A_230 : i32 to vector<16xi32>
    %sign3A_232 = arith.cmpi sgt, %min3A_226, %sign3A_231 : vector<16xi32>
    %sign3A_233 = arith.extui %sign3A_232 : vector<16xi1> to vector<16xi32>
    %sign3A_234 = arith.constant 0 : i32
    %sign3A_235 = vector.broadcast %sign3A_234 : i32 to vector<16xi32>
    %sign3A_236 = arith.cmpi slt, %min3A_226, %sign3A_235 : vector<16xi32>
    %sign3A_237 = arith.extui %sign3A_236 : vector<16xi1> to vector<16xi32>
    %sign3A_238 = arith.subi %sign3A_233, %sign3A_237 : vector<16xi32>
    %sign3A_239 = arith.constant 0 : i32
    %sign3A_240 = arith.cmpi sgt, %jit3A_227, %sign3A_239 : i32
    %sign3A_241 = arith.extui %sign3A_240 : i1 to i32
    %sign3A_242 = arith.constant 0 : i32
    %sign3A_243 = arith.cmpi slt, %jit3A_227, %sign3A_242 : i32
    %sign3A_244 = arith.extui %sign3A_243 : i1 to i32
    %sign3A_245 = arith.subi %sign3A_241, %sign3A_244 : i32
    %ne3A_246 = vector.broadcast %sign3A_245 : i32 to vector<16xi32>
    %ne3A_247 = arith.cmpi ne, %sign3A_238, %ne3A_246 : vector<16xi32>
    %rem3A_248 = vector.broadcast %jit3A_227 : i32 to vector<16xi32>
    %rem3A_249 = arith.remsi %min3A_226, %rem3A_248 : vector<16xi32>
    %ne3A_250 = arith.constant 0 : i32
    %ne3A_251 = vector.broadcast %ne3A_250 : i32 to vector<16xi32>
    %ne3A_252 = arith.cmpi ne, %rem3A_249, %ne3A_251 : vector<16xi32>
    %and3A_253 = arith.andi %ne3A_247, %ne3A_252 : vector<16xi1>
    %sub3A_254 = arith.constant 1 : i32
    %sub3A_255 = vector.broadcast %sub3A_254 : i32 to vector<16xi32>
    %sub3A_256 = arith.subi %div3A_229, %sub3A_255 : vector<16xi32>
    %select_n3A_257 = arith.select %and3A_253, %sub3A_256, %div3A_229 : vector<16xi1>, vector<16xi32>
    %mul3A_258 = arith.constant 29 : i32
    %mul3A_259 = vector.broadcast %mul3A_258 : i32 to vector<16xi32>
    %mul3A_260 = arith.muli %select_n3A_257, %mul3A_259 : vector<16xi32>
    %sub3A_261 = arith.subi %min3A_226, %mul3A_260 : vector<16xi32>
    %gather3A_262 = tpu.vector_load_idx %arg6[%sub3A_261] : memref<32xi32, #tpu.memory_space<vmem>>[vector<16xi32>], vector<16xi32>,
    %ge3A_263 = arith.constant 1 : i32
    %ge3A_264 = vector.broadcast %ge3A_263 : i32 to vector<16xi32>
    %ge3A_265 = arith.cmpi sge, %select_n3A_257, %ge3A_264 : vector<16xi32>
    %convert_element_type3A_266 = arith.extui %ge3A_265 : vector<16xi1> to vector<16xi32>
    %ge3A_267 = arith.constant 4 : i32
    %ge3A_268 = vector.broadcast %ge3A_267 : i32 to vector<16xi32>
    %ge3A_269 = arith.cmpi sge, %select_n3A_257, %ge3A_268 : vector<16xi32>
    %convert_element_type3A_270 = arith.extui %ge3A_269 : vector<16xi1> to vector<16xi32>
    %add3A_271 = arith.addi %convert_element_type3A_266, %convert_element_type3A_270 : vector<16xi32>
    %ge3A_272 = arith.constant 9 : i32
    %ge3A_273 = vector.broadcast %ge3A_272 : i32 to vector<16xi32>
    %ge3A_274 = arith.cmpi sge, %select_n3A_257, %ge3A_273 : vector<16xi32>
    %convert_element_type3A_275 = arith.extui %ge3A_274 : vector<16xi1> to vector<16xi32>
    %add3A_276 = arith.addi %add3A_271, %convert_element_type3A_275 : vector<16xi32>
    %ge3A_277 = arith.constant 16 : i32
    %ge3A_278 = vector.broadcast %ge3A_277 : i32 to vector<16xi32>
    %ge3A_279 = arith.cmpi sge, %select_n3A_257, %ge3A_278 : vector<16xi32>
    %convert_element_type3A_280 = arith.extui %ge3A_279 : vector<16xi1> to vector<16xi32>
    %add3A_281 = arith.addi %add3A_276, %convert_element_type3A_280 : vector<16xi32>
    %ge3A_282 = arith.constant 25 : i32
    %ge3A_283 = vector.broadcast %ge3A_282 : i32 to vector<16xi32>
    %ge3A_284 = arith.cmpi sge, %select_n3A_257, %ge3A_283 : vector<16xi32>
    %convert_element_type3A_285 = arith.extui %ge3A_284 : vector<16xi1> to vector<16xi32>
    %add3A_286 = arith.addi %add3A_281, %convert_element_type3A_285 : vector<16xi32>
    %ge3A_287 = arith.constant 36 : i32
    %ge3A_288 = vector.broadcast %ge3A_287 : i32 to vector<16xi32>
    %ge3A_289 = arith.cmpi sge, %select_n3A_257, %ge3A_288 : vector<16xi32>
    %convert_element_type3A_290 = arith.extui %ge3A_289 : vector<16xi1> to vector<16xi32>
    %add3A_291 = arith.addi %add3A_286, %convert_element_type3A_290 : vector<16xi32>
    %ge3A_292 = arith.constant 1 : i32
    %ge3A_293 = vector.broadcast %ge3A_292 : i32 to vector<16xi32>
    %ge3A_294 = arith.cmpi sge, %gather3A_262, %ge3A_293 : vector<16xi32>
    %convert_element_type3A_295 = arith.extui %ge3A_294 : vector<16xi1> to vector<16xi32>
    %ge3A_296 = arith.constant 4 : i32
    %ge3A_297 = vector.broadcast %ge3A_296 : i32 to vector<16xi32>
    %ge3A_298 = arith.cmpi sge, %gather3A_262, %ge3A_297 : vector<16xi32>
    %convert_element_type3A_299 = arith.extui %ge3A_298 : vector<16xi1> to vector<16xi32>
    %add3A_300 = arith.addi %convert_element_type3A_295, %convert_element_type3A_299 : vector<16xi32>
    %ge3A_301 = arith.constant 9 : i32
    %ge3A_302 = vector.broadcast %ge3A_301 : i32 to vector<16xi32>
    %ge3A_303 = arith.cmpi sge, %gather3A_262, %ge3A_302 : vector<16xi32>
    %convert_element_type3A_304 = arith.extui %ge3A_303 : vector<16xi1> to vector<16xi32>
    %add3A_305 = arith.addi %add3A_300, %convert_element_type3A_304 : vector<16xi32>
    %ge3A_306 = arith.constant 16 : i32
    %ge3A_307 = vector.broadcast %ge3A_306 : i32 to vector<16xi32>
    %ge3A_308 = arith.cmpi sge, %gather3A_262, %ge3A_307 : vector<16xi32>
    %convert_element_type3A_309 = arith.extui %ge3A_308 : vector<16xi1> to vector<16xi32>
    %add3A_310 = arith.addi %add3A_305, %convert_element_type3A_309 : vector<16xi32>
    %ge3A_311 = arith.constant 25 : i32
    %ge3A_312 = vector.broadcast %ge3A_311 : i32 to vector<16xi32>
    %ge3A_313 = arith.cmpi sge, %gather3A_262, %ge3A_312 : vector<16xi32>
    %convert_element_type3A_314 = arith.extui %ge3A_313 : vector<16xi1> to vector<16xi32>
    %add3A_315 = arith.addi %add3A_310, %convert_element_type3A_314 : vector<16xi32>
    %ge3A_316 = arith.constant 36 : i32
    %ge3A_317 = vector.broadcast %ge3A_316 : i32 to vector<16xi32>
    %ge3A_318 = arith.cmpi sge, %gather3A_262, %ge3A_317 : vector<16xi32>
    %convert_element_type3A_319 = arith.extui %ge3A_318 : vector<16xi1> to vector<16xi32>
    %add3A_320 = arith.addi %add3A_315, %convert_element_type3A_319 : vector<16xi32>
    %eq3A_321 = arith.constant 5 : i32
    %eq3A_322 = vector.broadcast %eq3A_321 : i32 to vector<16xi32>
    %eq3A_323 = arith.cmpi eq, %add3A_291, %eq3A_322 : vector<16xi32>
    %jit3A_324 = arith.constant 1.48323965 : f32
    %jit3A_325 = arith.constant 1.61245155 : f32
    %broadcast_in_dim3A_326 = vector.broadcast %jit3A_324 : f32 to vector<16xf32>
    %broadcast_in_dim3A_327 = vector.broadcast %jit3A_325 : f32 to vector<16xf32>
    %select_n3A_328 = arith.select %eq3A_323, %broadcast_in_dim3A_326, %broadcast_in_dim3A_327 : vector<16xi1>, vector<16xf32>
    %eq3A_329 = arith.constant 4 : i32
    %eq3A_330 = vector.broadcast %eq3A_329 : i32 to vector<16xi32>
    %eq3A_331 = arith.cmpi eq, %add3A_291, %eq3A_330 : vector<16xi32>
    %jit3A_332 = arith.constant 1.34164083 : f32
    %broadcast_in_dim3A_333 = vector.broadcast %jit3A_332 : f32 to vector<16xf32>
    %select_n3A_334 = arith.select %eq3A_331, %broadcast_in_dim3A_333, %select_n3A_328 : vector<16xi1>, vector<16xf32>
    %eq3A_335 = arith.constant 3 : i32
    %eq3A_336 = vector.broadcast %eq3A_335 : i32 to vector<16xi32>
    %eq3A_337 = arith.cmpi eq, %add3A_291, %eq3A_336 : vector<16xi32>
    %jit3A_338 = arith.constant 1.18321598 : f32
    %broadcast_in_dim3A_339 = vector.broadcast %jit3A_338 : f32 to vector<16xf32>
    %select_n3A_340 = arith.select %eq3A_337, %broadcast_in_dim3A_339, %select_n3A_334 : vector<16xi1>, vector<16xf32>
    %eq3A_341 = arith.cmpi eq, %add3A_291, %add3A_320 : vector<16xi32>
    %gt3A_342 = arith.constant 2 : i32
    %gt3A_343 = vector.broadcast %gt3A_342 : i32 to vector<16xi32>
    %gt3A_344 = arith.cmpi sgt, %add3A_291, %gt3A_343 : vector<16xi32>
    %and3A_345 = arith.andi %eq3A_341, %gt3A_344 : vector<16xi1>
    %jit3A_346 = arith.constant 1.000000e+00 : f32
    %broadcast_in_dim3A_347 = vector.broadcast %jit3A_346 : f32 to vector<16xf32>
    %select_n3A_348 = arith.select %and3A_345, %select_n3A_340, %broadcast_in_dim3A_347 : vector<16xi1>, vector<16xf32>
    %swap3A_349 = arith.constant 16 : index
    %swap3A_350 = tpu.vector_load %arg7[%swap3A_349] {strides = array<i32>} : memref<96xf32, #tpu.memory_space<vmem>>, vector<16xf32>,
    tpu.vector_store %arg7[%swap3A_349], %select_n3A_348 {strides = array<i32>} : memref<96xf32, #tpu.memory_space<vmem>>, vector<16xf32>,
    %mul3A_351 = arith.constant 6 : i32
    %mul3A_352 = arith.muli %add3A, %mul3A_351 : i32
    %add3A_353 = arith.constant 2 : i32
    %add3A_354 = arith.addi %mul3A_352, %add3A_353 : i32
    %mul3A_355 = arith.constant 16 : i32
    %mul3A_356 = arith.muli %add3A_354, %mul3A_355 : i32
    %add3A_357 = vector.broadcast %mul3A_356 : i32 to vector<16xi32>
    %add3A_358 = arith.addi %iota3A, %add3A_357 : vector<16xi32>
    %min3A_359 = arith.constant 1420 : i32
    %min3A_360 = vector.broadcast %min3A_359 : i32 to vector<16xi32>
    %min3A_361 = arith.minsi %add3A_358, %min3A_360 : vector<16xi32>
    %jit3A_362 = arith.constant 29 : i32
    %div3A_363 = vector.broadcast %jit3A_362 : i32 to vector<16xi32>
    %div3A_364 = arith.divsi %min3A_361, %div3A_363 : vector<16xi32>
    %sign3A_365 = arith.constant 0 : i32
    %sign3A_366 = vector.broadcast %sign3A_365 : i32 to vector<16xi32>
    %sign3A_367 = arith.cmpi sgt, %min3A_361, %sign3A_366 : vector<16xi32>
    %sign3A_368 = arith.extui %sign3A_367 : vector<16xi1> to vector<16xi32>
    %sign3A_369 = arith.constant 0 : i32
    %sign3A_370 = vector.broadcast %sign3A_369 : i32 to vector<16xi32>
    %sign3A_371 = arith.cmpi slt, %min3A_361, %sign3A_370 : vector<16xi32>
    %sign3A_372 = arith.extui %sign3A_371 : vector<16xi1> to vector<16xi32>
    %sign3A_373 = arith.subi %sign3A_368, %sign3A_372 : vector<16xi32>
    %sign3A_374 = arith.constant 0 : i32
    %sign3A_375 = arith.cmpi sgt, %jit3A_362, %sign3A_374 : i32
    %sign3A_376 = arith.extui %sign3A_375 : i1 to i32
    %sign3A_377 = arith.constant 0 : i32
    %sign3A_378 = arith.cmpi slt, %jit3A_362, %sign3A_377 : i32
    %sign3A_379 = arith.extui %sign3A_378 : i1 to i32
    %sign3A_380 = arith.subi %sign3A_376, %sign3A_379 : i32
    %ne3A_381 = vector.broadcast %sign3A_380 : i32 to vector<16xi32>
    %ne3A_382 = arith.cmpi ne, %sign3A_373, %ne3A_381 : vector<16xi32>
    %rem3A_383 = vector.broadcast %jit3A_362 : i32 to vector<16xi32>
    %rem3A_384 = arith.remsi %min3A_361, %rem3A_383 : vector<16xi32>
    %ne3A_385 = arith.constant 0 : i32
    %ne3A_386 = vector.broadcast %ne3A_385 : i32 to vector<16xi32>
    %ne3A_387 = arith.cmpi ne, %rem3A_384, %ne3A_386 : vector<16xi32>
    %and3A_388 = arith.andi %ne3A_382, %ne3A_387 : vector<16xi1>
    %sub3A_389 = arith.constant 1 : i32
    %sub3A_390 = vector.broadcast %sub3A_389 : i32 to vector<16xi32>
    %sub3A_391 = arith.subi %div3A_364, %sub3A_390 : vector<16xi32>
    %select_n3A_392 = arith.select %and3A_388, %sub3A_391, %div3A_364 : vector<16xi1>, vector<16xi32>
    %mul3A_393 = arith.constant 29 : i32
    %mul3A_394 = vector.broadcast %mul3A_393 : i32 to vector<16xi32>
    %mul3A_395 = arith.muli %select_n3A_392, %mul3A_394 : vector<16xi32>
    %sub3A_396 = arith.subi %min3A_361, %mul3A_395 : vector<16xi32>
    %gather3A_397 = tpu.vector_load_idx %arg6[%sub3A_396] : memref<32xi32, #tpu.memory_space<vmem>>[vector<16xi32>], vector<16xi32>,
    %ge3A_398 = arith.constant 1 : i32
    %ge3A_399 = vector.broadcast %ge3A_398 : i32 to vector<16xi32>
    %ge3A_400 = arith.cmpi sge, %select_n3A_392, %ge3A_399 : vector<16xi32>
    %convert_element_type3A_401 = arith.extui %ge3A_400 : vector<16xi1> to vector<16xi32>
    %ge3A_402 = arith.constant 4 : i32
    %ge3A_403 = vector.broadcast %ge3A_402 : i32 to vector<16xi32>
    %ge3A_404 = arith.cmpi sge, %select_n3A_392, %ge3A_403 : vector<16xi32>
    %convert_element_type3A_405 = arith.extui %ge3A_404 : vector<16xi1> to vector<16xi32>
    %add3A_406 = arith.addi %convert_element_type3A_401, %convert_element_type3A_405 : vector<16xi32>
    %ge3A_407 = arith.constant 9 : i32
    %ge3A_408 = vector.broadcast %ge3A_407 : i32 to vector<16xi32>
    %ge3A_409 = arith.cmpi sge, %select_n3A_392, %ge3A_408 : vector<16xi32>
    %convert_element_type3A_410 = arith.extui %ge3A_409 : vector<16xi1> to vector<16xi32>
    %add3A_411 = arith.addi %add3A_406, %convert_element_type3A_410 : vector<16xi32>
    %ge3A_412 = arith.constant 16 : i32
    %ge3A_413 = vector.broadcast %ge3A_412 : i32 to vector<16xi32>
    %ge3A_414 = arith.cmpi sge, %select_n3A_392, %ge3A_413 : vector<16xi32>
    %convert_element_type3A_415 = arith.extui %ge3A_414 : vector<16xi1> to vector<16xi32>
    %add3A_416 = arith.addi %add3A_411, %convert_element_type3A_415 : vector<16xi32>
    %ge3A_417 = arith.constant 25 : i32
    %ge3A_418 = vector.broadcast %ge3A_417 : i32 to vector<16xi32>
    %ge3A_419 = arith.cmpi sge, %select_n3A_392, %ge3A_418 : vector<16xi32>
    %convert_element_type3A_420 = arith.extui %ge3A_419 : vector<16xi1> to vector<16xi32>
    %add3A_421 = arith.addi %add3A_416, %convert_element_type3A_420 : vector<16xi32>
    %ge3A_422 = arith.constant 36 : i32
    %ge3A_423 = vector.broadcast %ge3A_422 : i32 to vector<16xi32>
    %ge3A_424 = arith.cmpi sge, %select_n3A_392, %ge3A_423 : vector<16xi32>
    %convert_element_type3A_425 = arith.extui %ge3A_424 : vector<16xi1> to vector<16xi32>
    %add3A_426 = arith.addi %add3A_421, %convert_element_type3A_425 : vector<16xi32>
    %ge3A_427 = arith.constant 1 : i32
    %ge3A_428 = vector.broadcast %ge3A_427 : i32 to vector<16xi32>
    %ge3A_429 = arith.cmpi sge, %gather3A_397, %ge3A_428 : vector<16xi32>
    %convert_element_type3A_430 = arith.extui %ge3A_429 : vector<16xi1> to vector<16xi32>
    %ge3A_431 = arith.constant 4 : i32
    %ge3A_432 = vector.broadcast %ge3A_431 : i32 to vector<16xi32>
    %ge3A_433 = arith.cmpi sge, %gather3A_397, %ge3A_432 : vector<16xi32>
    %convert_element_type3A_434 = arith.extui %ge3A_433 : vector<16xi1> to vector<16xi32>
    %add3A_435 = arith.addi %convert_element_type3A_430, %convert_element_type3A_434 : vector<16xi32>
    %ge3A_436 = arith.constant 9 : i32
    %ge3A_437 = vector.broadcast %ge3A_436 : i32 to vector<16xi32>
    %ge3A_438 = arith.cmpi sge, %gather3A_397, %ge3A_437 : vector<16xi32>
    %convert_element_type3A_439 = arith.extui %ge3A_438 : vector<16xi1> to vector<16xi32>
    %add3A_440 = arith.addi %add3A_435, %convert_element_type3A_439 : vector<16xi32>
    %ge3A_441 = arith.constant 16 : i32
    %ge3A_442 = vector.broadcast %ge3A_441 : i32 to vector<16xi32>
    %ge3A_443 = arith.cmpi sge, %gather3A_397, %ge3A_442 : vector<16xi32>
    %convert_element_type3A_444 = arith.extui %ge3A_443 : vector<16xi1> to vector<16xi32>
    %add3A_445 = arith.addi %add3A_440, %convert_element_type3A_444 : vector<16xi32>
    %ge3A_446 = arith.constant 25 : i32
    %ge3A_447 = vector.broadcast %ge3A_446 : i32 to vector<16xi32>
    %ge3A_448 = arith.cmpi sge, %gather3A_397, %ge3A_447 : vector<16xi32>
    %convert_element_type3A_449 = arith.extui %ge3A_448 : vector<16xi1> to vector<16xi32>
    %add3A_450 = arith.addi %add3A_445, %convert_element_type3A_449 : vector<16xi32>
    %ge3A_451 = arith.constant 36 : i32
    %ge3A_452 = vector.broadcast %ge3A_451 : i32 to vector<16xi32>
    %ge3A_453 = arith.cmpi sge, %gather3A_397, %ge3A_452 : vector<16xi32>
    %convert_element_type3A_454 = arith.extui %ge3A_453 : vector<16xi1> to vector<16xi32>
    %add3A_455 = arith.addi %add3A_450, %convert_element_type3A_454 : vector<16xi32>
    %eq3A_456 = arith.constant 5 : i32
    %eq3A_457 = vector.broadcast %eq3A_456 : i32 to vector<16xi32>
    %eq3A_458 = arith.cmpi eq, %add3A_426, %eq3A_457 : vector<16xi32>
    %jit3A_459 = arith.constant 1.48323965 : f32
    %jit3A_460 = arith.constant 1.61245155 : f32
    %broadcast_in_dim3A_461 = vector.broadcast %jit3A_459 : f32 to vector<16xf32>
    %broadcast_in_dim3A_462 = vector.broadcast %jit3A_460 : f32 to vector<16xf32>
    %select_n3A_463 = arith.select %eq3A_458, %broadcast_in_dim3A_461, %broadcast_in_dim3A_462 : vector<16xi1>, vector<16xf32>
    %eq3A_464 = arith.constant 4 : i32
    %eq3A_465 = vector.broadcast %eq3A_464 : i32 to vector<16xi32>
    %eq3A_466 = arith.cmpi eq, %add3A_426, %eq3A_465 : vector<16xi32>
    %jit3A_467 = arith.constant 1.34164083 : f32
    %broadcast_in_dim3A_468 = vector.broadcast %jit3A_467 : f32 to vector<16xf32>
    %select_n3A_469 = arith.select %eq3A_466, %broadcast_in_dim3A_468, %select_n3A_463 : vector<16xi1>, vector<16xf32>
    %eq3A_470 = arith.constant 3 : i32
    %eq3A_471 = vector.broadcast %eq3A_470 : i32 to vector<16xi32>
    %eq3A_472 = arith.cmpi eq, %add3A_426, %eq3A_471 : vector<16xi32>
    %jit3A_473 = arith.constant 1.18321598 : f32
    %broadcast_in_dim3A_474 = vector.broadcast %jit3A_473 : f32 to vector<16xf32>
    %select_n3A_475 = arith.select %eq3A_472, %broadcast_in_dim3A_474, %select_n3A_469 : vector<16xi1>, vector<16xf32>
    %eq3A_476 = arith.cmpi eq, %add3A_426, %add3A_455 : vector<16xi32>
    %gt3A_477 = arith.constant 2 : i32
    %gt3A_478 = vector.broadcast %gt3A_477 : i32 to vector<16xi32>
    %gt3A_479 = arith.cmpi sgt, %add3A_426, %gt3A_478 : vector<16xi32>
    %and3A_480 = arith.andi %eq3A_476, %gt3A_479 : vector<16xi1>
    %jit3A_481 = arith.constant 1.000000e+00 : f32
    %broadcast_in_dim3A_482 = vector.broadcast %jit3A_481 : f32 to vector<16xf32>
    %select_n3A_483 = arith.select %and3A_480, %select_n3A_475, %broadcast_in_dim3A_482 : vector<16xi1>, vector<16xf32>
    %swap3A_484 = arith.constant 32 : index
    %swap3A_485 = tpu.vector_load %arg7[%swap3A_484] {strides = array<i32>} : memref<96xf32, #tpu.memory_space<vmem>>, vector<16xf32>,
    tpu.vector_store %arg7[%swap3A_484], %select_n3A_483 {strides = array<i32>} : memref<96xf32, #tpu.memory_space<vmem>>, vector<16xf32>,
    %mul3A_486 = arith.constant 6 : i32
    %mul3A_487 = arith.muli %add3A, %mul3A_486 : i32
    %add3A_488 = arith.constant 3 : i32
    %add3A_489 = arith.addi %mul3A_487, %add3A_488 : i32
    %mul3A_490 = arith.constant 16 : i32
    %mul3A_491 = arith.muli %add3A_489, %mul3A_490 : i32
    %add3A_492 = vector.broadcast %mul3A_491 : i32 to vector<16xi32>
    %add3A_493 = arith.addi %iota3A, %add3A_492 : vector<16xi32>
    %min3A_494 = arith.constant 1420 : i32
    %min3A_495 = vector.broadcast %min3A_494 : i32 to vector<16xi32>
    %min3A_496 = arith.minsi %add3A_493, %min3A_495 : vector<16xi32>
    %jit3A_497 = arith.constant 29 : i32
    %div3A_498 = vector.broadcast %jit3A_497 : i32 to vector<16xi32>
    %div3A_499 = arith.divsi %min3A_496, %div3A_498 : vector<16xi32>
    %sign3A_500 = arith.constant 0 : i32
    %sign3A_501 = vector.broadcast %sign3A_500 : i32 to vector<16xi32>
    %sign3A_502 = arith.cmpi sgt, %min3A_496, %sign3A_501 : vector<16xi32>
    %sign3A_503 = arith.extui %sign3A_502 : vector<16xi1> to vector<16xi32>
    %sign3A_504 = arith.constant 0 : i32
    %sign3A_505 = vector.broadcast %sign3A_504 : i32 to vector<16xi32>
    %sign3A_506 = arith.cmpi slt, %min3A_496, %sign3A_505 : vector<16xi32>
    %sign3A_507 = arith.extui %sign3A_506 : vector<16xi1> to vector<16xi32>
    %sign3A_508 = arith.subi %sign3A_503, %sign3A_507 : vector<16xi32>
    %sign3A_509 = arith.constant 0 : i32
    %sign3A_510 = arith.cmpi sgt, %jit3A_497, %sign3A_509 : i32
    %sign3A_511 = arith.extui %sign3A_510 : i1 to i32
    %sign3A_512 = arith.constant 0 : i32
    %sign3A_513 = arith.cmpi slt, %jit3A_497, %sign3A_512 : i32
    %sign3A_514 = arith.extui %sign3A_513 : i1 to i32
    %sign3A_515 = arith.subi %sign3A_511, %sign3A_514 : i32
    %ne3A_516 = vector.broadcast %sign3A_515 : i32 to vector<16xi32>
    %ne3A_517 = arith.cmpi ne, %sign3A_508, %ne3A_516 : vector<16xi32>
    %rem3A_518 = vector.broadcast %jit3A_497 : i32 to vector<16xi32>
    %rem3A_519 = arith.remsi %min3A_496, %rem3A_518 : vector<16xi32>
    %ne3A_520 = arith.constant 0 : i32
    %ne3A_521 = vector.broadcast %ne3A_520 : i32 to vector<16xi32>
    %ne3A_522 = arith.cmpi ne, %rem3A_519, %ne3A_521 : vector<16xi32>
    %and3A_523 = arith.andi %ne3A_517, %ne3A_522 : vector<16xi1>
    %sub3A_524 = arith.constant 1 : i32
    %sub3A_525 = vector.broadcast %sub3A_524 : i32 to vector<16xi32>
    %sub3A_526 = arith.subi %div3A_499, %sub3A_525 : vector<16xi32>
    %select_n3A_527 = arith.select %and3A_523, %sub3A_526, %div3A_499 : vector<16xi1>, vector<16xi32>
    %mul3A_528 = arith.constant 29 : i32
    %mul3A_529 = vector.broadcast %mul3A_528 : i32 to vector<16xi32>
    %mul3A_530 = arith.muli %select_n3A_527, %mul3A_529 : vector<16xi32>
    %sub3A_531 = arith.subi %min3A_496, %mul3A_530 : vector<16xi32>
    %gather3A_532 = tpu.vector_load_idx %arg6[%sub3A_531] : memref<32xi32, #tpu.memory_space<vmem>>[vector<16xi32>], vector<16xi32>,
    %ge3A_533 = arith.constant 1 : i32
    %ge3A_534 = vector.broadcast %ge3A_533 : i32 to vector<16xi32>
    %ge3A_535 = arith.cmpi sge, %select_n3A_527, %ge3A_534 : vector<16xi32>
    %convert_element_type3A_536 = arith.extui %ge3A_535 : vector<16xi1> to vector<16xi32>
    %ge3A_537 = arith.constant 4 : i32
    %ge3A_538 = vector.broadcast %ge3A_537 : i32 to vector<16xi32>
    %ge3A_539 = arith.cmpi sge, %select_n3A_527, %ge3A_538 : vector<16xi32>
    %convert_element_type3A_540 = arith.extui %ge3A_539 : vector<16xi1> to vector<16xi32>
    %add3A_541 = arith.addi %convert_element_type3A_536, %convert_element_type3A_540 : vector<16xi32>
    %ge3A_542 = arith.constant 9 : i32
    %ge3A_543 = vector.broadcast %ge3A_542 : i32 to vector<16xi32>
    %ge3A_544 = arith.cmpi sge, %select_n3A_527, %ge3A_543 : vector<16xi32>
    %convert_element_type3A_545 = arith.extui %ge3A_544 : vector<16xi1> to vector<16xi32>
    %add3A_546 = arith.addi %add3A_541, %convert_element_type3A_545 : vector<16xi32>
    %ge3A_547 = arith.constant 16 : i32
    %ge3A_548 = vector.broadcast %ge3A_547 : i32 to vector<16xi32>
    %ge3A_549 = arith.cmpi sge, %select_n3A_527, %ge3A_548 : vector<16xi32>
    %convert_element_type3A_550 = arith.extui %ge3A_549 : vector<16xi1> to vector<16xi32>
    %add3A_551 = arith.addi %add3A_546, %convert_element_type3A_550 : vector<16xi32>
    %ge3A_552 = arith.constant 25 : i32
    %ge3A_553 = vector.broadcast %ge3A_552 : i32 to vector<16xi32>
    %ge3A_554 = arith.cmpi sge, %select_n3A_527, %ge3A_553 : vector<16xi32>
    %convert_element_type3A_555 = arith.extui %ge3A_554 : vector<16xi1> to vector<16xi32>
    %add3A_556 = arith.addi %add3A_551, %convert_element_type3A_555 : vector<16xi32>
    %ge3A_557 = arith.constant 36 : i32
    %ge3A_558 = vector.broadcast %ge3A_557 : i32 to vector<16xi32>
    %ge3A_559 = arith.cmpi sge, %select_n3A_527, %ge3A_558 : vector<16xi32>
    %convert_element_type3A_560 = arith.extui %ge3A_559 : vector<16xi1> to vector<16xi32>
    %add3A_561 = arith.addi %add3A_556, %convert_element_type3A_560 : vector<16xi32>
    %ge3A_562 = arith.constant 1 : i32
    %ge3A_563 = vector.broadcast %ge3A_562 : i32 to vector<16xi32>
    %ge3A_564 = arith.cmpi sge, %gather3A_532, %ge3A_563 : vector<16xi32>
    %convert_element_type3A_565 = arith.extui %ge3A_564 : vector<16xi1> to vector<16xi32>
    %ge3A_566 = arith.constant 4 : i32
    %ge3A_567 = vector.broadcast %ge3A_566 : i32 to vector<16xi32>
    %ge3A_568 = arith.cmpi sge, %gather3A_532, %ge3A_567 : vector<16xi32>
    %convert_element_type3A_569 = arith.extui %ge3A_568 : vector<16xi1> to vector<16xi32>
    %add3A_570 = arith.addi %convert_element_type3A_565, %convert_element_type3A_569 : vector<16xi32>
    %ge3A_571 = arith.constant 9 : i32
    %ge3A_572 = vector.broadcast %ge3A_571 : i32 to vector<16xi32>
    %ge3A_573 = arith.cmpi sge, %gather3A_532, %ge3A_572 : vector<16xi32>
    %convert_element_type3A_574 = arith.extui %ge3A_573 : vector<16xi1> to vector<16xi32>
    %add3A_575 = arith.addi %add3A_570, %convert_element_type3A_574 : vector<16xi32>
    %ge3A_576 = arith.constant 16 : i32
    %ge3A_577 = vector.broadcast %ge3A_576 : i32 to vector<16xi32>
    %ge3A_578 = arith.cmpi sge, %gather3A_532, %ge3A_577 : vector<16xi32>
    %convert_element_type3A_579 = arith.extui %ge3A_578 : vector<16xi1> to vector<16xi32>
    %add3A_580 = arith.addi %add3A_575, %convert_element_type3A_579 : vector<16xi32>
    %ge3A_581 = arith.constant 25 : i32
    %ge3A_582 = vector.broadcast %ge3A_581 : i32 to vector<16xi32>
    %ge3A_583 = arith.cmpi sge, %gather3A_532, %ge3A_582 : vector<16xi32>
    %convert_element_type3A_584 = arith.extui %ge3A_583 : vector<16xi1> to vector<16xi32>
    %add3A_585 = arith.addi %add3A_580, %convert_element_type3A_584 : vector<16xi32>
    %ge3A_586 = arith.constant 36 : i32
    %ge3A_587 = vector.broadcast %ge3A_586 : i32 to vector<16xi32>
    %ge3A_588 = arith.cmpi sge, %gather3A_532, %ge3A_587 : vector<16xi32>
    %convert_element_type3A_589 = arith.extui %ge3A_588 : vector<16xi1> to vector<16xi32>
    %add3A_590 = arith.addi %add3A_585, %convert_element_type3A_589 : vector<16xi32>
    %eq3A_591 = arith.constant 5 : i32
    %eq3A_592 = vector.broadcast %eq3A_591 : i32 to vector<16xi32>
    %eq3A_593 = arith.cmpi eq, %add3A_561, %eq3A_592 : vector<16xi32>
    %jit3A_594 = arith.constant 1.48323965 : f32
    %jit3A_595 = arith.constant 1.61245155 : f32
    %broadcast_in_dim3A_596 = vector.broadcast %jit3A_594 : f32 to vector<16xf32>
    %broadcast_in_dim3A_597 = vector.broadcast %jit3A_595 : f32 to vector<16xf32>
    %select_n3A_598 = arith.select %eq3A_593, %broadcast_in_dim3A_596, %broadcast_in_dim3A_597 : vector<16xi1>, vector<16xf32>
    %eq3A_599 = arith.constant 4 : i32
    %eq3A_600 = vector.broadcast %eq3A_599 : i32 to vector<16xi32>
    %eq3A_601 = arith.cmpi eq, %add3A_561, %eq3A_600 : vector<16xi32>
    %jit3A_602 = arith.constant 1.34164083 : f32
    %broadcast_in_dim3A_603 = vector.broadcast %jit3A_602 : f32 to vector<16xf32>
    %select_n3A_604 = arith.select %eq3A_601, %broadcast_in_dim3A_603, %select_n3A_598 : vector<16xi1>, vector<16xf32>
    %eq3A_605 = arith.constant 3 : i32
    %eq3A_606 = vector.broadcast %eq3A_605 : i32 to vector<16xi32>
    %eq3A_607 = arith.cmpi eq, %add3A_561, %eq3A_606 : vector<16xi32>
    %jit3A_608 = arith.constant 1.18321598 : f32
    %broadcast_in_dim3A_609 = vector.broadcast %jit3A_608 : f32 to vector<16xf32>
    %select_n3A_610 = arith.select %eq3A_607, %broadcast_in_dim3A_609, %select_n3A_604 : vector<16xi1>, vector<16xf32>
    %eq3A_611 = arith.cmpi eq, %add3A_561, %add3A_590 : vector<16xi32>
    %gt3A_612 = arith.constant 2 : i32
    %gt3A_613 = vector.broadcast %gt3A_612 : i32 to vector<16xi32>
    %gt3A_614 = arith.cmpi sgt, %add3A_561, %gt3A_613 : vector<16xi32>
    %and3A_615 = arith.andi %eq3A_611, %gt3A_614 : vector<16xi1>
    %jit3A_616 = arith.constant 1.000000e+00 : f32
    %broadcast_in_dim3A_617 = vector.broadcast %jit3A_616 : f32 to vector<16xf32>
    %select_n3A_618 = arith.select %and3A_615, %select_n3A_610, %broadcast_in_dim3A_617 : vector<16xi1>, vector<16xf32>
    %swap3A_619 = arith.constant 48 : index
    %swap3A_620 = tpu.vector_load %arg7[%swap3A_619] {strides = array<i32>} : memref<96xf32, #tpu.memory_space<vmem>>, vector<16xf32>,
    tpu.vector_store %arg7[%swap3A_619], %select_n3A_618 {strides = array<i32>} : memref<96xf32, #tpu.memory_space<vmem>>, vector<16xf32>,
    %mul3A_621 = arith.constant 6 : i32
    %mul3A_622 = arith.muli %add3A, %mul3A_621 : i32
    %add3A_623 = arith.constant 4 : i32
    %add3A_624 = arith.addi %mul3A_622, %add3A_623 : i32
    %mul3A_625 = arith.constant 16 : i32
    %mul3A_626 = arith.muli %add3A_624, %mul3A_625 : i32
    %add3A_627 = vector.broadcast %mul3A_626 : i32 to vector<16xi32>
    %add3A_628 = arith.addi %iota3A, %add3A_627 : vector<16xi32>
    %min3A_629 = arith.constant 1420 : i32
    %min3A_630 = vector.broadcast %min3A_629 : i32 to vector<16xi32>
    %min3A_631 = arith.minsi %add3A_628, %min3A_630 : vector<16xi32>
    %jit3A_632 = arith.constant 29 : i32
    %div3A_633 = vector.broadcast %jit3A_632 : i32 to vector<16xi32>
    %div3A_634 = arith.divsi %min3A_631, %div3A_633 : vector<16xi32>
    %sign3A_635 = arith.constant 0 : i32
    %sign3A_636 = vector.broadcast %sign3A_635 : i32 to vector<16xi32>
    %sign3A_637 = arith.cmpi sgt, %min3A_631, %sign3A_636 : vector<16xi32>
    %sign3A_638 = arith.extui %sign3A_637 : vector<16xi1> to vector<16xi32>
    %sign3A_639 = arith.constant 0 : i32
    %sign3A_640 = vector.broadcast %sign3A_639 : i32 to vector<16xi32>
    %sign3A_641 = arith.cmpi slt, %min3A_631, %sign3A_640 : vector<16xi32>
    %sign3A_642 = arith.extui %sign3A_641 : vector<16xi1> to vector<16xi32>
    %sign3A_643 = arith.subi %sign3A_638, %sign3A_642 : vector<16xi32>
    %sign3A_644 = arith.constant 0 : i32
    %sign3A_645 = arith.cmpi sgt, %jit3A_632, %sign3A_644 : i32
    %sign3A_646 = arith.extui %sign3A_645 : i1 to i32
    %sign3A_647 = arith.constant 0 : i32
    %sign3A_648 = arith.cmpi slt, %jit3A_632, %sign3A_647 : i32
    %sign3A_649 = arith.extui %sign3A_648 : i1 to i32
    %sign3A_650 = arith.subi %sign3A_646, %sign3A_649 : i32
    %ne3A_651 = vector.broadcast %sign3A_650 : i32 to vector<16xi32>
    %ne3A_652 = arith.cmpi ne, %sign3A_643, %ne3A_651 : vector<16xi32>
    %rem3A_653 = vector.broadcast %jit3A_632 : i32 to vector<16xi32>
    %rem3A_654 = arith.remsi %min3A_631, %rem3A_653 : vector<16xi32>
    %ne3A_655 = arith.constant 0 : i32
    %ne3A_656 = vector.broadcast %ne3A_655 : i32 to vector<16xi32>
    %ne3A_657 = arith.cmpi ne, %rem3A_654, %ne3A_656 : vector<16xi32>
    %and3A_658 = arith.andi %ne3A_652, %ne3A_657 : vector<16xi1>
    %sub3A_659 = arith.constant 1 : i32
    %sub3A_660 = vector.broadcast %sub3A_659 : i32 to vector<16xi32>
    %sub3A_661 = arith.subi %div3A_634, %sub3A_660 : vector<16xi32>
    %select_n3A_662 = arith.select %and3A_658, %sub3A_661, %div3A_634 : vector<16xi1>, vector<16xi32>
    %mul3A_663 = arith.constant 29 : i32
    %mul3A_664 = vector.broadcast %mul3A_663 : i32 to vector<16xi32>
    %mul3A_665 = arith.muli %select_n3A_662, %mul3A_664 : vector<16xi32>
    %sub3A_666 = arith.subi %min3A_631, %mul3A_665 : vector<16xi32>
    %gather3A_667 = tpu.vector_load_idx %arg6[%sub3A_666] : memref<32xi32, #tpu.memory_space<vmem>>[vector<16xi32>], vector<16xi32>,
    %ge3A_668 = arith.constant 1 : i32
    %ge3A_669 = vector.broadcast %ge3A_668 : i32 to vector<16xi32>
    %ge3A_670 = arith.cmpi sge, %select_n3A_662, %ge3A_669 : vector<16xi32>
    %convert_element_type3A_671 = arith.extui %ge3A_670 : vector<16xi1> to vector<16xi32>
    %ge3A_672 = arith.constant 4 : i32
    %ge3A_673 = vector.broadcast %ge3A_672 : i32 to vector<16xi32>
    %ge3A_674 = arith.cmpi sge, %select_n3A_662, %ge3A_673 : vector<16xi32>
    %convert_element_type3A_675 = arith.extui %ge3A_674 : vector<16xi1> to vector<16xi32>
    %add3A_676 = arith.addi %convert_element_type3A_671, %convert_element_type3A_675 : vector<16xi32>
    %ge3A_677 = arith.constant 9 : i32
    %ge3A_678 = vector.broadcast %ge3A_677 : i32 to vector<16xi32>
    %ge3A_679 = arith.cmpi sge, %select_n3A_662, %ge3A_678 : vector<16xi32>
    %convert_element_type3A_680 = arith.extui %ge3A_679 : vector<16xi1> to vector<16xi32>
    %add3A_681 = arith.addi %add3A_676, %convert_element_type3A_680 : vector<16xi32>
    %ge3A_682 = arith.constant 16 : i32
    %ge3A_683 = vector.broadcast %ge3A_682 : i32 to vector<16xi32>
    %ge3A_684 = arith.cmpi sge, %select_n3A_662, %ge3A_683 : vector<16xi32>
    %convert_element_type3A_685 = arith.extui %ge3A_684 : vector<16xi1> to vector<16xi32>
    %add3A_686 = arith.addi %add3A_681, %convert_element_type3A_685 : vector<16xi32>
    %ge3A_687 = arith.constant 25 : i32
    %ge3A_688 = vector.broadcast %ge3A_687 : i32 to vector<16xi32>
    %ge3A_689 = arith.cmpi sge, %select_n3A_662, %ge3A_688 : vector<16xi32>
    %convert_element_type3A_690 = arith.extui %ge3A_689 : vector<16xi1> to vector<16xi32>
    %add3A_691 = arith.addi %add3A_686, %convert_element_type3A_690 : vector<16xi32>
    %ge3A_692 = arith.constant 36 : i32
    %ge3A_693 = vector.broadcast %ge3A_692 : i32 to vector<16xi32>
    %ge3A_694 = arith.cmpi sge, %select_n3A_662, %ge3A_693 : vector<16xi32>
    %convert_element_type3A_695 = arith.extui %ge3A_694 : vector<16xi1> to vector<16xi32>
    %add3A_696 = arith.addi %add3A_691, %convert_element_type3A_695 : vector<16xi32>
    %ge3A_697 = arith.constant 1 : i32
    %ge3A_698 = vector.broadcast %ge3A_697 : i32 to vector<16xi32>
    %ge3A_699 = arith.cmpi sge, %gather3A_667, %ge3A_698 : vector<16xi32>
    %convert_element_type3A_700 = arith.extui %ge3A_699 : vector<16xi1> to vector<16xi32>
    %ge3A_701 = arith.constant 4 : i32
    %ge3A_702 = vector.broadcast %ge3A_701 : i32 to vector<16xi32>
    %ge3A_703 = arith.cmpi sge, %gather3A_667, %ge3A_702 : vector<16xi32>
    %convert_element_type3A_704 = arith.extui %ge3A_703 : vector<16xi1> to vector<16xi32>
    %add3A_705 = arith.addi %convert_element_type3A_700, %convert_element_type3A_704 : vector<16xi32>
    %ge3A_706 = arith.constant 9 : i32
    %ge3A_707 = vector.broadcast %ge3A_706 : i32 to vector<16xi32>
    %ge3A_708 = arith.cmpi sge, %gather3A_667, %ge3A_707 : vector<16xi32>
    %convert_element_type3A_709 = arith.extui %ge3A_708 : vector<16xi1> to vector<16xi32>
    %add3A_710 = arith.addi %add3A_705, %convert_element_type3A_709 : vector<16xi32>
    %ge3A_711 = arith.constant 16 : i32
    %ge3A_712 = vector.broadcast %ge3A_711 : i32 to vector<16xi32>
    %ge3A_713 = arith.cmpi sge, %gather3A_667, %ge3A_712 : vector<16xi32>
    %convert_element_type3A_714 = arith.extui %ge3A_713 : vector<16xi1> to vector<16xi32>
    %add3A_715 = arith.addi %add3A_710, %convert_element_type3A_714 : vector<16xi32>
    %ge3A_716 = arith.constant 25 : i32
    %ge3A_717 = vector.broadcast %ge3A_716 : i32 to vector<16xi32>
    %ge3A_718 = arith.cmpi sge, %gather3A_667, %ge3A_717 : vector<16xi32>
    %convert_element_type3A_719 = arith.extui %ge3A_718 : vector<16xi1> to vector<16xi32>
    %add3A_720 = arith.addi %add3A_715, %convert_element_type3A_719 : vector<16xi32>
    %ge3A_721 = arith.constant 36 : i32
    %ge3A_722 = vector.broadcast %ge3A_721 : i32 to vector<16xi32>
    %ge3A_723 = arith.cmpi sge, %gather3A_667, %ge3A_722 : vector<16xi32>
    %convert_element_type3A_724 = arith.extui %ge3A_723 : vector<16xi1> to vector<16xi32>
    %add3A_725 = arith.addi %add3A_720, %convert_element_type3A_724 : vector<16xi32>
    %eq3A_726 = arith.constant 5 : i32
    %eq3A_727 = vector.broadcast %eq3A_726 : i32 to vector<16xi32>
    %eq3A_728 = arith.cmpi eq, %add3A_696, %eq3A_727 : vector<16xi32>
    %jit3A_729 = arith.constant 1.48323965 : f32
    %jit3A_730 = arith.constant 1.61245155 : f32
    %broadcast_in_dim3A_731 = vector.broadcast %jit3A_729 : f32 to vector<16xf32>
    %broadcast_in_dim3A_732 = vector.broadcast %jit3A_730 : f32 to vector<16xf32>
    %select_n3A_733 = arith.select %eq3A_728, %broadcast_in_dim3A_731, %broadcast_in_dim3A_732 : vector<16xi1>, vector<16xf32>
    %eq3A_734 = arith.constant 4 : i32
    %eq3A_735 = vector.broadcast %eq3A_734 : i32 to vector<16xi32>
    %eq3A_736 = arith.cmpi eq, %add3A_696, %eq3A_735 : vector<16xi32>
    %jit3A_737 = arith.constant 1.34164083 : f32
    %broadcast_in_dim3A_738 = vector.broadcast %jit3A_737 : f32 to vector<16xf32>
    %select_n3A_739 = arith.select %eq3A_736, %broadcast_in_dim3A_738, %select_n3A_733 : vector<16xi1>, vector<16xf32>
    %eq3A_740 = arith.constant 3 : i32
    %eq3A_741 = vector.broadcast %eq3A_740 : i32 to vector<16xi32>
    %eq3A_742 = arith.cmpi eq, %add3A_696, %eq3A_741 : vector<16xi32>
    %jit3A_743 = arith.constant 1.18321598 : f32
    %broadcast_in_dim3A_744 = vector.broadcast %jit3A_743 : f32 to vector<16xf32>
    %select_n3A_745 = arith.select %eq3A_742, %broadcast_in_dim3A_744, %select_n3A_739 : vector<16xi1>, vector<16xf32>
    %eq3A_746 = arith.cmpi eq, %add3A_696, %add3A_725 : vector<16xi32>
    %gt3A_747 = arith.constant 2 : i32
    %gt3A_748 = vector.broadcast %gt3A_747 : i32 to vector<16xi32>
    %gt3A_749 = arith.cmpi sgt, %add3A_696, %gt3A_748 : vector<16xi32>
    %and3A_750 = arith.andi %eq3A_746, %gt3A_749 : vector<16xi1>
    %jit3A_751 = arith.constant 1.000000e+00 : f32
    %broadcast_in_dim3A_752 = vector.broadcast %jit3A_751 : f32 to vector<16xf32>
    %select_n3A_753 = arith.select %and3A_750, %select_n3A_745, %broadcast_in_dim3A_752 : vector<16xi1>, vector<16xf32>
    %swap3A_754 = arith.constant 64 : index
    %swap3A_755 = tpu.vector_load %arg7[%swap3A_754] {strides = array<i32>} : memref<96xf32, #tpu.memory_space<vmem>>, vector<16xf32>,
    tpu.vector_store %arg7[%swap3A_754], %select_n3A_753 {strides = array<i32>} : memref<96xf32, #tpu.memory_space<vmem>>, vector<16xf32>,
    %mul3A_756 = arith.constant 6 : i32
    %mul3A_757 = arith.muli %add3A, %mul3A_756 : i32
    %add3A_758 = arith.constant 5 : i32
    %add3A_759 = arith.addi %mul3A_757, %add3A_758 : i32
    %mul3A_760 = arith.constant 16 : i32
    %mul3A_761 = arith.muli %add3A_759, %mul3A_760 : i32
    %add3A_762 = vector.broadcast %mul3A_761 : i32 to vector<16xi32>
    %add3A_763 = arith.addi %iota3A, %add3A_762 : vector<16xi32>
    %min3A_764 = arith.constant 1420 : i32
    %min3A_765 = vector.broadcast %min3A_764 : i32 to vector<16xi32>
    %min3A_766 = arith.minsi %add3A_763, %min3A_765 : vector<16xi32>
    %jit3A_767 = arith.constant 29 : i32
    %div3A_768 = vector.broadcast %jit3A_767 : i32 to vector<16xi32>
    %div3A_769 = arith.divsi %min3A_766, %div3A_768 : vector<16xi32>
    %sign3A_770 = arith.constant 0 : i32
    %sign3A_771 = vector.broadcast %sign3A_770 : i32 to vector<16xi32>
    %sign3A_772 = arith.cmpi sgt, %min3A_766, %sign3A_771 : vector<16xi32>
    %sign3A_773 = arith.extui %sign3A_772 : vector<16xi1> to vector<16xi32>
    %sign3A_774 = arith.constant 0 : i32
    %sign3A_775 = vector.broadcast %sign3A_774 : i32 to vector<16xi32>
    %sign3A_776 = arith.cmpi slt, %min3A_766, %sign3A_775 : vector<16xi32>
    %sign3A_777 = arith.extui %sign3A_776 : vector<16xi1> to vector<16xi32>
    %sign3A_778 = arith.subi %sign3A_773, %sign3A_777 : vector<16xi32>
    %sign3A_779 = arith.constant 0 : i32
    %sign3A_780 = arith.cmpi sgt, %jit3A_767, %sign3A_779 : i32
    %sign3A_781 = arith.extui %sign3A_780 : i1 to i32
    %sign3A_782 = arith.constant 0 : i32
    %sign3A_783 = arith.cmpi slt, %jit3A_767, %sign3A_782 : i32
    %sign3A_784 = arith.extui %sign3A_783 : i1 to i32
    %sign3A_785 = arith.subi %sign3A_781, %sign3A_784 : i32
    %ne3A_786 = vector.broadcast %sign3A_785 : i32 to vector<16xi32>
    %ne3A_787 = arith.cmpi ne, %sign3A_778, %ne3A_786 : vector<16xi32>
    %rem3A_788 = vector.broadcast %jit3A_767 : i32 to vector<16xi32>
    %rem3A_789 = arith.remsi %min3A_766, %rem3A_788 : vector<16xi32>
    %ne3A_790 = arith.constant 0 : i32
    %ne3A_791 = vector.broadcast %ne3A_790 : i32 to vector<16xi32>
    %ne3A_792 = arith.cmpi ne, %rem3A_789, %ne3A_791 : vector<16xi32>
    %and3A_793 = arith.andi %ne3A_787, %ne3A_792 : vector<16xi1>
    %sub3A_794 = arith.constant 1 : i32
    %sub3A_795 = vector.broadcast %sub3A_794 : i32 to vector<16xi32>
    %sub3A_796 = arith.subi %div3A_769, %sub3A_795 : vector<16xi32>
    %select_n3A_797 = arith.select %and3A_793, %sub3A_796, %div3A_769 : vector<16xi1>, vector<16xi32>
    %mul3A_798 = arith.constant 29 : i32
    %mul3A_799 = vector.broadcast %mul3A_798 : i32 to vector<16xi32>
    %mul3A_800 = arith.muli %select_n3A_797, %mul3A_799 : vector<16xi32>
    %sub3A_801 = arith.subi %min3A_766, %mul3A_800 : vector<16xi32>
    %gather3A_802 = tpu.vector_load_idx %arg6[%sub3A_801] : memref<32xi32, #tpu.memory_space<vmem>>[vector<16xi32>], vector<16xi32>,
    %ge3A_803 = arith.constant 1 : i32
    %ge3A_804 = vector.broadcast %ge3A_803 : i32 to vector<16xi32>
    %ge3A_805 = arith.cmpi sge, %select_n3A_797, %ge3A_804 : vector<16xi32>
    %convert_element_type3A_806 = arith.extui %ge3A_805 : vector<16xi1> to vector<16xi32>
    %ge3A_807 = arith.constant 4 : i32
    %ge3A_808 = vector.broadcast %ge3A_807 : i32 to vector<16xi32>
    %ge3A_809 = arith.cmpi sge, %select_n3A_797, %ge3A_808 : vector<16xi32>
    %convert_element_type3A_810 = arith.extui %ge3A_809 : vector<16xi1> to vector<16xi32>
    %add3A_811 = arith.addi %convert_element_type3A_806, %convert_element_type3A_810 : vector<16xi32>
    %ge3A_812 = arith.constant 9 : i32
    %ge3A_813 = vector.broadcast %ge3A_812 : i32 to vector<16xi32>
    %ge3A_814 = arith.cmpi sge, %select_n3A_797, %ge3A_813 : vector<16xi32>
    %convert_element_type3A_815 = arith.extui %ge3A_814 : vector<16xi1> to vector<16xi32>
    %add3A_816 = arith.addi %add3A_811, %convert_element_type3A_815 : vector<16xi32>
    %ge3A_817 = arith.constant 16 : i32
    %ge3A_818 = vector.broadcast %ge3A_817 : i32 to vector<16xi32>
    %ge3A_819 = arith.cmpi sge, %select_n3A_797, %ge3A_818 : vector<16xi32>
    %convert_element_type3A_820 = arith.extui %ge3A_819 : vector<16xi1> to vector<16xi32>
    %add3A_821 = arith.addi %add3A_816, %convert_element_type3A_820 : vector<16xi32>
    %ge3A_822 = arith.constant 25 : i32
    %ge3A_823 = vector.broadcast %ge3A_822 : i32 to vector<16xi32>
    %ge3A_824 = arith.cmpi sge, %select_n3A_797, %ge3A_823 : vector<16xi32>
    %convert_element_type3A_825 = arith.extui %ge3A_824 : vector<16xi1> to vector<16xi32>
    %add3A_826 = arith.addi %add3A_821, %convert_element_type3A_825 : vector<16xi32>
    %ge3A_827 = arith.constant 36 : i32
    %ge3A_828 = vector.broadcast %ge3A_827 : i32 to vector<16xi32>
    %ge3A_829 = arith.cmpi sge, %select_n3A_797, %ge3A_828 : vector<16xi32>
    %convert_element_type3A_830 = arith.extui %ge3A_829 : vector<16xi1> to vector<16xi32>
    %add3A_831 = arith.addi %add3A_826, %convert_element_type3A_830 : vector<16xi32>
    %ge3A_832 = arith.constant 1 : i32
    %ge3A_833 = vector.broadcast %ge3A_832 : i32 to vector<16xi32>
    %ge3A_834 = arith.cmpi sge, %gather3A_802, %ge3A_833 : vector<16xi32>
    %convert_element_type3A_835 = arith.extui %ge3A_834 : vector<16xi1> to vector<16xi32>
    %ge3A_836 = arith.constant 4 : i32
    %ge3A_837 = vector.broadcast %ge3A_836 : i32 to vector<16xi32>
    %ge3A_838 = arith.cmpi sge, %gather3A_802, %ge3A_837 : vector<16xi32>
    %convert_element_type3A_839 = arith.extui %ge3A_838 : vector<16xi1> to vector<16xi32>
    %add3A_840 = arith.addi %convert_element_type3A_835, %convert_element_type3A_839 : vector<16xi32>
    %ge3A_841 = arith.constant 9 : i32
    %ge3A_842 = vector.broadcast %ge3A_841 : i32 to vector<16xi32>
    %ge3A_843 = arith.cmpi sge, %gather3A_802, %ge3A_842 : vector<16xi32>
    %convert_element_type3A_844 = arith.extui %ge3A_843 : vector<16xi1> to vector<16xi32>
    %add3A_845 = arith.addi %add3A_840, %convert_element_type3A_844 : vector<16xi32>
    %ge3A_846 = arith.constant 16 : i32
    %ge3A_847 = vector.broadcast %ge3A_846 : i32 to vector<16xi32>
    %ge3A_848 = arith.cmpi sge, %gather3A_802, %ge3A_847 : vector<16xi32>
    %convert_element_type3A_849 = arith.extui %ge3A_848 : vector<16xi1> to vector<16xi32>
    %add3A_850 = arith.addi %add3A_845, %convert_element_type3A_849 : vector<16xi32>
    %ge3A_851 = arith.constant 25 : i32
    %ge3A_852 = vector.broadcast %ge3A_851 : i32 to vector<16xi32>
    %ge3A_853 = arith.cmpi sge, %gather3A_802, %ge3A_852 : vector<16xi32>
    %convert_element_type3A_854 = arith.extui %ge3A_853 : vector<16xi1> to vector<16xi32>
    %add3A_855 = arith.addi %add3A_850, %convert_element_type3A_854 : vector<16xi32>
    %ge3A_856 = arith.constant 36 : i32
    %ge3A_857 = vector.broadcast %ge3A_856 : i32 to vector<16xi32>
    %ge3A_858 = arith.cmpi sge, %gather3A_802, %ge3A_857 : vector<16xi32>
    %convert_element_type3A_859 = arith.extui %ge3A_858 : vector<16xi1> to vector<16xi32>
    %add3A_860 = arith.addi %add3A_855, %convert_element_type3A_859 : vector<16xi32>
    %eq3A_861 = arith.constant 5 : i32
    %eq3A_862 = vector.broadcast %eq3A_861 : i32 to vector<16xi32>
    %eq3A_863 = arith.cmpi eq, %add3A_831, %eq3A_862 : vector<16xi32>
    %jit3A_864 = arith.constant 1.48323965 : f32
    %jit3A_865 = arith.constant 1.61245155 : f32
    %broadcast_in_dim3A_866 = vector.broadcast %jit3A_864 : f32 to vector<16xf32>
    %broadcast_in_dim3A_867 = vector.broadcast %jit3A_865 : f32 to vector<16xf32>
    %select_n3A_868 = arith.select %eq3A_863, %broadcast_in_dim3A_866, %broadcast_in_dim3A_867 : vector<16xi1>, vector<16xf32>
    %eq3A_869 = arith.constant 4 : i32
    %eq3A_870 = vector.broadcast %eq3A_869 : i32 to vector<16xi32>
    %eq3A_871 = arith.cmpi eq, %add3A_831, %eq3A_870 : vector<16xi32>
    %jit3A_872 = arith.constant 1.34164083 : f32
    %broadcast_in_dim3A_873 = vector.broadcast %jit3A_872 : f32 to vector<16xf32>
    %select_n3A_874 = arith.select %eq3A_871, %broadcast_in_dim3A_873, %select_n3A_868 : vector<16xi1>, vector<16xf32>
    %eq3A_875 = arith.constant 3 : i32
    %eq3A_876 = vector.broadcast %eq3A_875 : i32 to vector<16xi32>
    %eq3A_877 = arith.cmpi eq, %add3A_831, %eq3A_876 : vector<16xi32>
    %jit3A_878 = arith.constant 1.18321598 : f32
    %broadcast_in_dim3A_879 = vector.broadcast %jit3A_878 : f32 to vector<16xf32>
    %select_n3A_880 = arith.select %eq3A_877, %broadcast_in_dim3A_879, %select_n3A_874 : vector<16xi1>, vector<16xf32>
    %eq3A_881 = arith.cmpi eq, %add3A_831, %add3A_860 : vector<16xi32>
    %gt3A_882 = arith.constant 2 : i32
    %gt3A_883 = vector.broadcast %gt3A_882 : i32 to vector<16xi32>
    %gt3A_884 = arith.cmpi sgt, %add3A_831, %gt3A_883 : vector<16xi32>
    %and3A_885 = arith.andi %eq3A_881, %gt3A_884 : vector<16xi1>
    %jit3A_886 = arith.constant 1.000000e+00 : f32
    %broadcast_in_dim3A_887 = vector.broadcast %jit3A_886 : f32 to vector<16xf32>
    %select_n3A_888 = arith.select %and3A_885, %select_n3A_880, %broadcast_in_dim3A_887 : vector<16xi1>, vector<16xf32>
    %swap3A_889 = arith.constant 80 : index
    %swap3A_890 = tpu.vector_load %arg7[%swap3A_889] {strides = array<i32>} : memref<96xf32, #tpu.memory_space<vmem>>, vector<16xf32>,
    tpu.vector_store %arg7[%swap3A_889], %select_n3A_888 {strides = array<i32>} : memref<96xf32, #tpu.memory_space<vmem>>, vector<16xf32>,
    %lt3A_891 = arith.constant 14 : i32
    %lt3A_892 = arith.cmpi slt, %add3A, %lt3A_891 : i32
    %convert_element_type3A_893 = arith.extui %lt3A_892 : i1 to i32
    %cond3A = arith.constant 0 : i32
    %cond3A_894 = arith.cmpi ne, %convert_element_type3A_893, %cond3A : i32
    scf.if %cond3A_894 {
      %mul3A_905 = arith.constant 96 : i32
      %mul3A_906 = arith.muli %add3A, %mul3A_905 : i32
      "tpu.region"() ({
        %run_scoped3A = tpu.sem_alloc : memref<!tpu.dma_semaphore, #tpu.memory_space<semaphore_mem>>
        %dma_start3A = tpu.memref_slice %arg4[%mul3A_906] : memref<1421xf32, #tpu.memory_space<hbm>> -> memref<96xf32, #tpu.memory_space<hbm>>
        %dma_start3A_907 = tpu.memref_slice %arg4[%mul3A_906] : memref<1421xf32, #tpu.memory_space<hbm>> -> memref<96xf32, #tpu.memory_space<hbm>>
        tpu.enqueue_dma source(%arg7 : memref<96xf32, #tpu.memory_space<vmem>>) target(%dma_start3A_907 : memref<96xf32, #tpu.memory_space<hbm>>) target_semaphore(%run_scoped3A : memref<!tpu.dma_semaphore, #tpu.memory_space<semaphore_mem>>)
        %dma_wait3A = tpu.memref_slice %arg4[%mul3A_906] : memref<1421xf32, #tpu.memory_space<hbm>> -> memref<96xf32, #tpu.memory_space<hbm>>
        %dma_wait3A_908 = tpu.memref_slice %arg4[%mul3A_906] : memref<1421xf32, #tpu.memory_space<hbm>> -> memref<96xf32, #tpu.memory_space<hbm>>
        tpu.wait_dma2 semaphore(%run_scoped3A : memref<!tpu.dma_semaphore, #tpu.memory_space<semaphore_mem>>) src(%arg7 : memref<96xf32, #tpu.memory_space<vmem>>) dst(%dma_wait3A_908 : memref<96xf32, #tpu.memory_space<hbm>>)
        tpu.yield
      }) : () -> ()
    } else {
    }
    %eq3A_895 = arith.constant 14 : i32
    %eq3A_896 = arith.cmpi eq, %add3A, %eq3A_895 : i32
    %convert_element_type3A_897 = arith.extui %eq3A_896 : i1 to i32
    %cond3A_898 = arith.constant 0 : i32
    %cond3A_899 = arith.cmpi ne, %convert_element_type3A_897, %cond3A_898 : i32
    scf.if %cond3A_899 {
      "tpu.region"() ({
        %run_scoped3A = tpu.sem_alloc : memref<!tpu.dma_semaphore, #tpu.memory_space<semaphore_mem>>
        %dma_start3A = arith.constant 0 : i32
        %dma_start3A_905 = tpu.memref_slice %arg7[%dma_start3A] : memref<96xf32, #tpu.memory_space<vmem>> -> memref<77xf32, #tpu.memory_space<vmem>>
        %dma_start3A_906 = arith.constant 1344 : i32
        %dma_start3A_907 = tpu.memref_slice %arg4[%dma_start3A_906] : memref<1421xf32, #tpu.memory_space<hbm>> -> memref<77xf32, #tpu.memory_space<hbm>>
        %dma_start3A_908 = arith.constant 1344 : i32
        %dma_start3A_909 = tpu.memref_slice %arg4[%dma_start3A_908] : memref<1421xf32, #tpu.memory_space<hbm>> -> memref<77xf32, #tpu.memory_space<hbm>>
        %dma_start3A_910 = arith.constant 0 : i32
        %dma_start3A_911 = tpu.memref_slice %arg7[%dma_start3A_910] : memref<96xf32, #tpu.memory_space<vmem>> -> memref<77xf32, #tpu.memory_space<vmem>>
        tpu.enqueue_dma source(%dma_start3A_911 : memref<77xf32, #tpu.memory_space<vmem>>) target(%dma_start3A_909 : memref<77xf32, #tpu.memory_space<hbm>>) target_semaphore(%run_scoped3A : memref<!tpu.dma_semaphore, #tpu.memory_space<semaphore_mem>>)
        %dma_wait3A = arith.constant 0 : i32
        %dma_wait3A_912 = tpu.memref_slice %arg7[%dma_wait3A] : memref<96xf32, #tpu.memory_space<vmem>> -> memref<77xf32, #tpu.memory_space<vmem>>
        %dma_wait3A_913 = arith.constant 1344 : i32
        %dma_wait3A_914 = tpu.memref_slice %arg4[%dma_wait3A_913] : memref<1421xf32, #tpu.memory_space<hbm>> -> memref<77xf32, #tpu.memory_space<hbm>>
        %dma_wait3A_915 = arith.constant 1344 : i32
        %dma_wait3A_916 = tpu.memref_slice %arg4[%dma_wait3A_915] : memref<1421xf32, #tpu.memory_space<hbm>> -> memref<77xf32, #tpu.memory_space<hbm>>
        %dma_wait3A_917 = arith.constant 0 : i32
        %dma_wait3A_918 = tpu.memref_slice %arg7[%dma_wait3A_917] : memref<96xf32, #tpu.memory_space<vmem>> -> memref<77xf32, #tpu.memory_space<vmem>>
        tpu.wait_dma2 semaphore(%run_scoped3A : memref<!tpu.dma_semaphore, #tpu.memory_space<semaphore_mem>>) src(%dma_wait3A_918 : memref<77xf32, #tpu.memory_space<vmem>>) dst(%dma_wait3A_916 : memref<77xf32, #tpu.memory_space<hbm>>)
        tpu.yield
      }) : () -> ()
    } else {
    }
    %eq3A_900 = arith.constant 15 : i32
    %eq3A_901 = arith.cmpi eq, %add3A, %eq3A_900 : i32
    %convert_element_type3A_902 = arith.extui %eq3A_901 : i1 to i32
    %cond3A_903 = arith.constant 0 : i32
    %cond3A_904 = arith.cmpi ne, %convert_element_type3A_902, %cond3A_903 : i32
    scf.if %cond3A_904 {
      "tpu.region"() ({
        %run_scoped3A = tpu.sem_alloc : memref<!tpu.dma_semaphore, #tpu.memory_space<semaphore_mem>>
        %dma_start3A = arith.constant 0 : i32
        %dma_start3A_905 = tpu.memref_slice %arg6[%dma_start3A] : memref<32xi32, #tpu.memory_space<vmem>> -> memref<29xi32, #tpu.memory_space<vmem>>
        %dma_start3A_906 = arith.constant 0 : i32
        %dma_start3A_907 = tpu.memref_slice %arg6[%dma_start3A_906] : memref<32xi32, #tpu.memory_space<vmem>> -> memref<29xi32, #tpu.memory_space<vmem>>
        tpu.enqueue_dma source(%dma_start3A_907 : memref<29xi32, #tpu.memory_space<vmem>>) target(%arg3 : memref<29xi32, #tpu.memory_space<hbm>>) target_semaphore(%run_scoped3A : memref<!tpu.dma_semaphore, #tpu.memory_space<semaphore_mem>>)
        %dma_wait3A = arith.constant 0 : i32
        %dma_wait3A_908 = tpu.memref_slice %arg6[%dma_wait3A] : memref<32xi32, #tpu.memory_space<vmem>> -> memref<29xi32, #tpu.memory_space<vmem>>
        %dma_wait3A_909 = arith.constant 0 : i32
        %dma_wait3A_910 = tpu.memref_slice %arg6[%dma_wait3A_909] : memref<32xi32, #tpu.memory_space<vmem>> -> memref<29xi32, #tpu.memory_space<vmem>>
        tpu.wait_dma2 semaphore(%run_scoped3A : memref<!tpu.dma_semaphore, #tpu.memory_space<semaphore_mem>>) src(%dma_wait3A_910 : memref<29xi32, #tpu.memory_space<vmem>>) dst(%arg3 : memref<29xi32, #tpu.memory_space<hbm>>)
        tpu.yield
      }) : () -> ()
    } else {
    }
    return
  }
}

</mosaic_0001>

<sc_bundles>
// kernel: kernel.3.cloned.1.call-start
scs
__scs_entry_jumppad:
0x0: {  	(pc) =	sbr.rel $0x88, $3  }
0x1: {  	(tag) =	ssettag $0x0;
	lr =	simm.s32 $0x1  }
0x2: {  	[smem:$0x3F9D] =	sst lr;
	_ =	strace $0xD0000000  }
0x3: {  	_ = 	snop  }
0x4: {  	_ = 	snop  }
0x5: {  	_ = 	snop  }
0x6: {  	_ = 	snop  }
0x7: {  	_ = 	snop  }
__scs_overlays_trampoline_lowered:
0x8: {  	[smem:$0x3FAC] =	sst s0  }
0x9: {  	[smem:$0x3FAD] =	sst s1  }
0xa: {  	[smem:$0x3FAE] =	sst s2  }
0xb: {  	[smem:$0x3FAF] =	sst s3  }
0xc: {  	[smem:$0x3FB0] =	sst s4  }
0xd: {  	[smem:$0x3FB1] =	sst s5  }
0xe: {  	[smem:$0x3FB2] =	sst s6  }
0xf: {  	[smem:$0x3FB3] =	sst s7  }
0x10: {  	[smem:$0x3FB4] =	sst s8  }
0x11: {  	[smem:$0x3FB5] =	sst s9;
	s0 =	simm.s32 @!p0 $0x0  }
0x12: {  	s1 =	sld [smem:$0x3F9B];
	s0 =	simm.s32 @p0 $0x1  }
0x13: {  	[smem:$0x3FB6] =	sst s0;
	s0 =	simm.s32 @!p1 $0x0  }
0x14: {  	s2 =	sld [smem:$0x3F9A];
	s0 =	simm.s32 @p1 $0x1  }
0x15: {  	[smem:$0x3FB7] =	sst s0;
	s0 =	simm.s32 @!p2 $0x0  }
0x16: {  	s3 =	sld [smem:$0x3FDB];
	s0 =	simm.s32 @p2 $0x1  }
0x17: {  	s4 =	simm.s32 $0x1BF5;
	[smem:$0x3FB9] =	sst s0  }
0x18: {  	s0 =	sld [smem:$0x3F9C];
	_ =	swait.ge [sflag:s4], $0x0  }
0x19: {  	s7 =	sld [smem:$0x3F9D]  }
0x1a: {  	s8 =	sadd.s32 $0xFFFFE003, lr  }
0x1b: {  	s9 =	sadd.s32 $0xFFFFFEF7, lr;
	s5 =	simm.s32 $0xFFFFFFFF;
	p2 =	slt.u32 s8, $0xFFFFF086  }
0x1c: {  	p1 =	slt.u32 s9, $0xF7A;
	s5 =	simm.s32 @!p2 $0x0  }
0x1d: {  	s5 =	simm.s32 @p1 $0x1;
	p0 =	seq.s32 s7, s2  }
0x1e: {  	s7 =	smul.u32 @!p0 $0xF7A, s2;
	p2 =	seq.s32 @!p0 s5, $0x0  }
0x1f: {  	s9 =	smul.u32 $0xF7A, s1;
	s8 =	simm.s32 @!p0 $0x1BF5;
	p2 =	por !p2, p0  }
0x20: {  	[sflag:s8] =	ssyncset.s32 @!p0 $0xFFFFF086;
	s6 =	sadd.s32 @!p0 s3, s7;
	s7 =	simm.s32 @!p0 $0x108  }
0x21: {  	s3 =	sadd.s32 s3, s9;
	s6 =	sadd.s32 @!p0 $0x88, s6;
	s7 =	simm.s32 @p2 $0x1082  }
0x22: {  	[simem:s7], [sflag:s8] =	dma.local @!p0 [hbm:s6], $0xF7A  }
0x23: {  	s9 =	sor.u32 $0xD0000000, s2;
	s6 =	simm.s32 $0x108;
	_ =	swait.ge @!p0 [sflag:s8], $0x0  }
0x24: {  	s3 =	sadd.s32 $0x88, s3;
	s6 =	simm.s32 @!p1 $0x1082;
	[sflag:s4] =	ssyncset.s32 $0xFFFFF086  }
0x25: {  	[simem:s6], [sflag:s4] =	dma.local [hbm:s3], $0xF7A  }
0x26: {  	[smem:$0x3F9D] =	sst s1;
	(tag) =	ssettag s2;
	_ =	strace s9  }
0x27: {  	s1 =	sld [smem:$0x3FAD]  }
0x28: {  	s2 =	sld [smem:$0x3FAE]  }
0x29: {  	s4 =	sld [smem:$0x3FB0]  }
0x2a: {  	p0 =	seq.s32 s5, $0x0;
	s5 =	sld [smem:$0x3FB1]  }
0x2b: {  	s6 =	sld [smem:$0x3FB2]  }
0x2c: {  	s7 =	sld [smem:$0x3FB3]  }
0x2d: {  	s3 =	simm.s32 $0x108;
	s8 =	sld [smem:$0x3FB4]  }
0x2e: {  	s3 =	simm.s32 @!p0 $0x1082;
	s9 =	sld [smem:$0x3FB5]  }
0x2f: {  	lr =	sadd.s32 s0, s3;
	s0 =	sld [smem:$0x3FAC]  }
0x30: {  	s3 =	sld [smem:$0x3FAF]  }
0x31: {  	[smem:$0x3FB8] =	sst s10  }
0x32: {  	s10 =	sld [smem:$0x3FB6];
	_ =	sdelay $0x3  }
0x33: {  	p0 =	seq.s32 s10, $0x1;
	s10 =	sld [smem:$0x3FB8];
	_ =	sdelay $0x3  }
0x34: {  	[smem:$0x3FB8] =	sst s10  }
0x35: {  	s10 =	sld [smem:$0x3FB7];
	_ =	sdelay $0x3  }
0x36: {  	p1 =	seq.s32 s10, $0x1;
	s10 =	sld [smem:$0x3FB8];
	_ =	sdelay $0x3  }
0x37: {  	[smem:$0x3FB8] =	sst s10  }
0x38: {  	s10 =	sld [smem:$0x3FB9]  }
0x39: {  	_ = 	snop;
	(pc) =	sbr.ind lr, $3  }
0x3a: {  	_ = 	snop  }
0x3b: {  	_ = 	snop  }
0x3c: {  	p2 =	seq.s32 s10, $0x1;
	s10 =	sld [smem:$0x3FB8]  }
0x3d: {  	_ =	shalt  }
0x3e: {  	_ =	shalt  }
0x3f: {  	_ =	shalt  }
0x40: {  	_ =	shalt  }
0x41: {  	_ =	shalt  }
0x42: {  	_ =	shalt  }
0x43: {  	_ =	shalt  }
0x44: {  	_ =	shalt  }
0x45: {  	_ =	shalt  }
0x46: {  	_ =	shalt  }
0x47: {  	_ =	shalt  }
0x48: {  	_ =	shalt  }
0x49: {  	_ =	shalt  }
0x4a: {  	_ =	shalt  }
0x4b: {  	_ =	shalt  }
0x4c: {  	_ =	shalt  }
0x4d: {  	_ =	shalt  }
0x4e: {  	_ =	shalt  }
0x4f: {  	_ =	shalt  }
0x50: {  	_ =	shalt  }
0x51: {  	_ =	shalt  }
0x52: {  	_ =	shalt  }
0x53: {  	_ =	shalt  }
0x54: {  	_ =	shalt  }
0x55: {  	_ =	shalt  }
0x56: {  	_ =	shalt  }
0x57: {  	_ =	shalt  }
0x58: {  	_ =	shalt  }
0x59: {  	_ =	shalt  }
0x5a: {  	_ =	shalt  }
0x5b: {  	_ =	shalt  }
0x5c: {  	_ =	shalt  }
0x5d: {  	_ =	shalt  }
0x5e: {  	_ =	shalt  }
0x5f: {  	_ =	shalt  }
0x60: {  	_ =	shalt  }
0x61: {  	_ =	shalt  }
0x62: {  	_ =	shalt  }
0x63: {  	_ =	shalt  }
0x64: {  	_ =	shalt  }
0x65: {  	_ =	shalt  }
0x66: {  	_ =	shalt  }
0x67: {  	_ =	shalt  }
0x68: {  	_ =	shalt  }
0x69: {  	_ =	shalt  }
0x6a: {  	_ =	shalt  }
0x6b: {  	_ =	shalt  }
0x6c: {  	_ =	shalt  }
0x6d: {  	_ =	shalt  }
0x6e: {  	_ =	shalt  }
0x6f: {  	_ =	shalt  }
0x70: {  	_ =	shalt  }
0x71: {  	_ =	shalt  }
0x72: {  	_ =	shalt  }
0x73: {  	_ =	shalt  }
0x74: {  	_ =	shalt  }
0x75: {  	_ =	shalt  }
0x76: {  	_ =	shalt  }
0x77: {  	_ =	shalt  }
0x78: {  	_ =	shalt  }
0x79: {  	_ =	shalt  }
0x7a: {  	_ =	shalt  }
0x7b: {  	_ =	shalt  }
0x7c: {  	_ =	shalt  }
0x7d: {  	_ =	shalt  }
0x7e: {  	_ =	shalt  }
0x7f: {  	_ =	shalt  }
0x80: {  	_ =	shalt  }
0x81: {  	_ =	shalt  }
0x82: {  	_ =	shalt  }
0x83: {  	_ =	shalt  }
0x84: {  	_ =	shalt  }
0x85: {  	_ =	shalt  }
0x86: {  	_ =	shalt  }
0x87: {  	_ =	shalt  }
.Lfunc_end0:
.L_simem_size_0:
called_computation_lowered:
.L_overlay_start_0:
0x88: {  	s0 =	sld [smem:$0x3FD9]  }
0x89: {  	s1 =	sld [smem:$0x3FFE];
	_ =	sdelay $0x3  }
0x8a: {  	s0 =	sadd.s32 s1, s0  }
0x8b: {  	[smem:$0x3FC4] =	sst s0  }
0x8c: {  	_ = 	snop  }
0x8d: {  	s0 =	sld [smem:$0x3FD0];
	_ =	sdelay $0x2  }
0x8e: {  	s13 =	simm.s32 $0xA;
	s2 =	simm.s32 $0x10  }
0x8f: {  	[smem:s2], [sflag:s13] =	dma.local [hbm:s0], $0x1  }
0x90: {  	_ =	swait.eq [sflag:s13], $0x1  }
0x91: {  	[sflag:s13] =	ssyncset.done $0x0  }
0x92: {  	s14 =	sld [smem:$0x10];
	[sflag:s13] =	ssyncadd.s32 $0xFFFFFFFF  }
0x93: {  	s15 =	sld [smem:$0x11];
	(tm) =	ssettm $0x1  }
0x94: {  	s16 =	sld [smem:$0x3FFB];
	_ =	sdelay $0x3  }
0x95: {  	_ =	strace s16  }
0x96: {  	s2 =	sld [smem:$0x3FFC];
	_ =	sdelay $0x3  }
0x97: {  	_ =	strace s2  }
0x98: {  	s2 =	sld [smem:$0x3FFD];
	_ =	sdelay $0x3  }
0x99: {  	_ =	strace s2  }
0x9a: {  	_ =	strace $0x8FFFFFFF  }
0x9b: {  	s17 =	sld [smem:$0x3FDB];
	_ =	sdelay $0x1  }
0x9c: {  	s3 =	simm.s32 $_scs_section_size  }
0x9d: {  	s4 =	simm.s32 $_size__tile_overlayer_lowered;
	s5 =	simm.s32 $_tile_overlayer_lowered  }
0x9e: {  	s20 =	simm.s32 $0x1BFF;
	s19 =	sshll.u32 s5, $0x1;
	s2 =	sadd.s32 s3, s17  }
0x9f: {  	s6 =	simm.s32 $0x0;
	s18 =	sshll.u32 s4, $0x1;
	s4 =	sadd.s32 s19, s2  }
0xa0: {  	[timem:s6], [sflag:s20] =	dma.local [hbm:s4], s18  }
0xa1: {  	_ =	swait.ge [sflag:s20], s18  }
0xa2: {  	s3 =	ssub.s32 $0x0, s18;
	[sflag:s20] =	ssyncset.done $0x0  }
0xa3: {  	[sflag:s20] =	ssyncadd.s32 s3;
	_ =	sdelay $0x1  }
0xa4: {  	s21 =	simm.s32 $0x1B8B  }
0xa5: {  	_ =	swait.ge [sflag:s21], $0x1  }
0xa6: {  	[sflag:s21] =	ssyncset.done $0x0  }
0xa7: {  	s23 =	simm.s32 $0x1B8E;
	s22 =	sld [smem:$0x3FFE];
	[sflag:s21] =	ssyncadd.s32 $0xFFFFFFFF  }
0xa8: {  	s24 =	simm.s32 $execute0_lowered;
	[smem:$0x3FD2] =	sst s23  }
0xa9: {  	s4 =	sshll.u32 s24, $0x1;
	_ =	strace $0x80000046;
	[dreg:$0x1] =	wrdreg $0xFFFFFFFF  }
0xaa: {  	s25 =	simm.s32 $_size_execute0_lowered;
	s2 =	sadd.s32 s2, s4;
	[dreg:$0x0] =	wrdreg $0x0  }
0xab: {  	s4 =	sshll.u32 s25, $0x1;
	[dreg:$0x2] =	wrdreg s2  }
0xac: {  	[dreg:$0x3] =	wrdreg s4  }
0xad: {  	[dreg:$0x4] =	wrdreg $0xC0  }
0xae: {  	_ =	task [dreg:s6], $0x5FFFF  }
0xaf: {  	[dreg:$0x1] =	wrdreg $0xFFFFFFFF  }
0xb0: {  	[dreg:$0x0] =	wrdreg $0x60  }
0xb1: {  	[dreg:$0x2] =	wrdreg s22  }
0xb2: {  	[dreg:$0x3] =	wrdreg s14  }
0xb3: {  	[dreg:$0x4] =	wrdreg s15  }
0xb4: {  	[dreg:$0x5] =	wrdreg $0x9  }
0xb5: {  	_ =	task.clear_ibuf [dreg:s6], $0x6FFFF;
	_ =	strace $0x90000046  }
0xb6: {  	s26 =	simm.s32 $0x9;
	_ =	strace $0x80000048  }
0xb7: {  	_ =	swait.ge [sflag:s26], $0x1  }
0xb8: {  	[sflag:s26] =	ssyncadd.s32 $0xFFFFFFFF  }
0xb9: {  	_ =	strace $0x90000048  }
0xba: {  	_ =	sfence  }
0xbb: {  	s28 =	sld [smem:$0x0];
	_ =	sdelay $0x1  }
0xbc: {  	s29 =	srdreg.scid  }
0xbd: {  	s30 =	sshll.u32 s29, $0xD;
	s31 =	sshrl.u32 s29, $0x2  }
0xbe: {  	s1 =	sand.u32 $0x1, s29;
	s2 =	sand.u32 $0x4000, s30;
	s0 =	sadd.s32 s31, s28  }
0xbf: {  	s1 =	sor.u32 s2, s1;
	s0 =	sshll.u32 s0, $0x11  }
0xc0: {  	s0 =	sor.u32 s0, s1  }
0xc1: {  	s0 =	sadd.s32 $0x8F2B, s0  }
0xc2: {  	[sflag:s0] =	ssyncadd.remote.s32 $0x1  }
0xc3: {  	_ =	sfence.sel $0xFFFF  }
0xc4: {  	[dreg:$0x0] =	wrdreg $0xFFFFFFFF;
	(pc) =	sbr.abs _section_cstart, $3  }
0xc5: {  	[dreg:$0x1] =	wrdreg $0xFFFFFFFF  }
0xc6: {  	_ =	task.clear_ibuf [dreg:s6], $0x2FFFF;
	_ =	strace $0x9FFFFFFF  }
0xc7: {  	(tm) =	ssettm $0x7FFFFFFF  }
tec
execute0_lowered:
.L_overlay_start_1:
0x0: {  	(tag) =	ssettag $0x1  }
0x1: {  	s3 =	rddreg [dreg:$0x0]  }
0x2: {  	s2 =	rddreg [dreg:$0x1]  }
0x3: {  	s1 =	rddreg [dreg:$0x2]  }
0x4: {  	s0 =	rddreg [dreg:$0x3];
	s4 =	simm.s32 $0x0  }
0x5: {  	[smem:$0x7FF] =	sst s4  }
0x6: {  	s26 =	simm.s32 $0x1;
	s3 =	sadd.s32 $0xC00, s3;
	_ =	strace $0x80000047  }
0x7: {  	[tilespmem:s4], [sflag:$0x1] =	stream.linear.gather [hbm4b:s3+s4], $0x80, $0x38;
	[tilespmem:$0x180] =	vst v63  }
0x8: {  	_ =	swait.ge [sflag:s26], $0x80  }
0x9: {  	[sflag:s26] =	ssyncset.done $0x0  }
0xa: {  	[sflag:s26] =	ssyncadd.s32 $0xFFFFFF80  }
0xb: {  	v0 =	vld [tilespmem:$0x0];
	_ =	sdelay $0x3  }
0xc: {  	vm0 =	vmmov $0x1  }
0xd: {  	vm9 =	vcmask $0x308;
	v1 =	vnsel vm0, $0x80000000, v0  }
0xe: {  	v0 =	vsel vm9, $0x80000000, v0;
	v1 =	vxor.u32 $0x80000000, v1  }
0xf: {  	v0 =	vxor.u32 $0x80000000, v0;
	(xrf0) =	vmax.scan.msk.u32 $0xffff, v1  }
0x10: {  	(xrf0) =	vmax.scan.msk.u32 $0xffff, v0;
	_ =	sdelay $0x3  }
0x11: {  	v1 =	vlaneseq.u32  }
0x12: {  	v2 =	vmul.u32 $0xFFFFFFFF, v1;
	v40, _, _ =	vpop (xrf0)  }
0x13: {  	v4 =	vld [tilespmem:$0x10];
	v3, _, _ =	vpop (xrf0)  }
0x14: {  	v5 =	vld [tilespmem:$0x30];
	v2 =	vadd.s32 $0xF, v2;
	v0 =	vxor.u32 $0x80000000, v40;
	v3 =	vxor.u32 $0x80000000, v3  }
0x15: {  	v6 =	vperm.xlane v0, v2;
	v2 =	vperm.xlane v3, v2;
	_ =	sdelay $0x1  }
0x16: {  	vm10 =	vgt.s32 v0, v6;
	vm1 =	vgt.s32 v3, v2  }
0x17: {  	v6 =	vsel vm10, v0, v6;
	v2 =	vsel vm1, v3, v2  }
0x18: {  	vm0 =	vle.s32 v4, v6;
	vm1 =	vle.s32 v5, v2  }
0x19: {  	v0 =	vimm.s32 $0x0;
	vm0 =	vmand vm0, vm1  }
0x1a: {  	v41 =	vsel vm0, $0x1, v0  }
0x1b: {  	(xrf0) =	vadd.scan.msk.s32 $0xffff, v41;
	_ =	sdelay $0x4  }
0x1c: {  	s3 =	stileid.u32  }
0x1d: {  	s4 =	smul.u32 $0x60, s3;
	v44, _, _ =	vpop (xrf0)  }
0x1e: {  	v5 =	vadd.s32 $0xFFFFFFFF, v44  }
0x1f: {  	v42 =	vmov s4  }
0x20: {  	v3 =	vbroadcast v42, $0x0  }
0x21: {  	[tilespmem:$0x80] =	vst v0  }
0x22: {  	s5 =	simm.s32 $0x80;
	[tilespmem:$0x90] =	vst v0;
	v43 =	vor.u32 v1, v3  }
0x23: {  	vm11 =	vlt.s32 v43, $0x58C;
	[tilespmem:v5+s5+$0x0] =	vst.idx.msk vm0, v1  }
0x24: {  	v4 =	vnsel vm11, $0x58C, v43;
	v10 =	vld [tilespmem:$0x20]  }
0x25: {  	v7 =	vmulhi.u32 $0x8D3DCB09, v4;
	v45 =	vld [tilespmem:$0x40];
	_ =	sdelay $0x1  }
0x26: {  	s6 =	sor.u32 $0x10, s4;
	v7 =	vshrl.u32 v7, $0x4  }
0x27: {  	v51 =	vmov s6;
	v8 =	vmul.u32 $0xFFFFFFE3, v7  }
0x28: {  	v53 =	vbroadcast v51, $0x0;
	vm12 =	veq.s32 v3, v1;
	v9 =	vsub.s32 $0x0, v4  }
0x29: {  	vm13 =	vne.s32 v8, v9;
	vm15 =	vle.s32 v10, v6;
	vm2 =	vle.s32 v45, v2  }
0x2a: {  	vm5 =	vmmov $0x1fff;
	vm0 =	vmand vm12, vm13;
	vm1 =	vmand vm15, vm2  }
0x2b: {  	v55 =	vor.u32 v1, v53;
	v46 =	vsel vm0, $0xFFFFFFFF, v0;
	vm0 =	vmand vm1, vm5  }
0x2c: {  	vm10 =	vlt.s32 v55, $0x58C;
	v49 =	vsel vm0, $0x1, v0  }
0x2d: {  	s28 =	sadd.s32 $0x20, s4;
	v57 =	vnsel vm10, $0x58C, v55;
	(xrf0) =	vadd.scan.msk.s32 $0xffff, v49  }
0x2e: {  	s29 =	sadd.s32 $0x30, s4;
	v15 =	vmov s28;
	v58 =	vmulhi.u32 $0x8D3DCB09, v57  }
0x2f: {  	v33 =	vmov s29;
	vm4 =	vgt.u32 v53, $0x1CF;
	v63 =	vor.u32 $0x10, v1  }
0x30: {  	v12 =	vsel vm4, $0x1, v0;
	v9 =	vshrl.u32 v58, $0x4;
	v7 =	vadd.s32 v46, v7  }
0x31: {  	v9 =	vmul.u32 $0x1D, v9;
	v5 =	vbroadcast v5, $0xF;
	v8 =	vmul.u32 $0xFFFFFFE3, v7  }
0x32: {  	vm14 =	vgt.s32 v7, $0x0;
	vm3 =	vgt.s32 v7, $0x3;
	vm6 =	vgt.s32 v7, $0x8  }
0x33: {  	vm7 =	vgt.s32 v7, $0xF;
	vm8 =	vgt.s32 v7, $0x18;
	vm9 =	vgt.s32 v7, $0x23;
	v59, _, _ =	vpop (xrf0)  }
0x34: {  	v47 =	vsel vm14, $0x1, v0;
	v48 =	vsel vm3, $0x1, v0;
	v5 =	vadd.s32 v5, v59  }
0x35: {  	v50 =	vsel vm6, $0x1, v0;
	v52 =	vsel vm7, $0x1, v0;
	v4 =	vadd.s32 v4, v8  }
0x36: {  	v54 =	vsel vm8, $0x1, v0;
	v56 =	vsel vm9, $0x1, v0;
	v2 =	vadd.s32 v48, v47  }
0x37: {  	vm14 =	vgt.u32 v55, $0x1C;
	vm6 =	vgt.u32 v55, $0x104;
	v2 =	vadd.s32 v50, v2  }
0x38: {  	vm7 =	vgt.u32 v55, $0x2D4;
	vm8 =	vgt.u32 v57, $0x413;
	v2 =	vadd.s32 v52, v2  }
0x39: {  	v61 =	vsel vm14, $0x1, v0;
	v13 =	vsel vm6, $0x1, v0;
	v2 =	vadd.s32 v54, v2;
	[tilespmem:v5+s5+$0x0] =	vst.idx.msk vm0, v63  }
0x3a: {  	v14 =	vsel vm8, $0x1, v0;
	v8 =	vsub.s32 v57, v9;
	v3 =	vadd.s32 v56, v2;
	v4 =	vld.idx.msk [tilespmem:v4+s5+$0x0], $0xffff  }
0x3b: {  	vm15 =	vgt.u32 v55, $0x73;
	v2 =	vimm.f32 $1.612451550e+00;
	vm11 =	veq.s32 v3, $0x5  }
0x3c: {  	v62 =	vsel vm15, $0x1, v0;
	vm12 =	veq.s32 v3, $0x4;
	v11 =	vsel vm11, $0x3FBDDACC, v2  }
0x3d: {  	s30 =	sadd.s32 $0x40, s4;
	v10 =	vbroadcast v33, $0x0;
	v60 =	vsel vm12, $0x3FABBAE3, v11;
	v11 =	vadd.s32 v12, v62  }
0x3e: {  	v55 =	vmov s30;
	vm13 =	veq.s32 v3, $0x3;
	v6 =	vadd.s32 v61, v11  }
0x3f: {  	v16 =	vsel vm13, $0x3F97739F, v60;
	vm12 =	vgt.s32 v4, $0x0;
	vm13 =	vgt.s32 v4, $0x3  }
0x40: {  	vm14 =	vgt.s32 v4, $0x8;
	v19 =	vsel vm12, $0x1, v0;
	v20 =	vsel vm13, $0x1, v0  }
0x41: {  	vm15 =	vgt.s32 v4, $0xF;
	v21 =	vsel vm14, $0x1, v0;
	v11 =	vadd.s32 v20, v19  }
0x42: {  	vm4 =	vgt.s32 v4, $0x18;
	v22 =	vsel vm15, $0x1, v0;
	v11 =	vadd.s32 v21, v11  }
0x43: {  	vm5 =	vgt.s32 v4, $0x23;
	v23 =	vsel vm4, $0x1, v0;
	v11 =	vadd.s32 v22, v11  }
0x44: {  	vm9 =	vgt.u32 v3, $0x2;
	v25 =	vsel vm5, $0x1, v0;
	v11 =	vadd.s32 v23, v11  }
0x45: {  	v12 =	vsel vm7, $0x1, v0;
	v6 =	vadd.s32 v13, v6;
	v11 =	vadd.s32 v25, v11  }
0x46: {  	v5 =	vadd.s32 v12, v6;
	v6 =	vbroadcast v15, $0x0;
	vm7 =	veq.s32 v3, v11  }
0x47: {  	v35 =	vor.u32 v1, v10;
	v5 =	vadd.s32 v14, v5;
	vm2 =	vmand vm9, vm7  }
0x48: {  	vm10 =	veq.s32 v5, $0x5;
	v18 =	vor.u32 v1, v6;
	v7 =	vnsel vm2, $0x3F800000, v16  }
0x49: {  	vm6 =	veq.s32 v5, $0x4;
	vm0 =	veq.s32 v5, $0x3;
	vm1 =	vgt.u32 v5, $0x2;
	[tilespmem:$0x100] =	vst v7  }
0x4a: {  	v17 =	vsel vm10, $0x3FBDDACC, v2;
	vm11 =	vlt.s32 v18, $0x58C;
	vm8 =	vgt.u32 v18, $0x1C;
	v8 =	vld.idx.msk [tilespmem:v8+s5+$0x0], $0xffff  }
0x4b: {  	vm10 =	vgt.u32 v6, $0x1CF;
	v24 =	vnsel vm11, $0x58C, v18;
	v9 =	vsel vm6, $0x3FABBAE3, v17  }
0x4c: {  	v28 =	vsel vm8, $0x1, v0;
	vm11 =	vgt.u32 v18, $0x104;
	v26 =	vmulhi.u32 $0x8D3DCB09, v24  }
0x4d: {  	v30 =	vsel vm10, $0x1, v0;
	vm8 =	vlt.s32 v35, $0x58C;
	v31 =	vsel vm11, $0x1, v0  }
0x4e: {  	v43 =	vnsel vm8, $0x58C, v35;
	v45 =	vsel vm0, $0x3F97739F, v9;
	v27 =	vshrl.u32 v26, $0x4  }
0x4f: {  	v3 =	vmul.u32 $0x1D, v27;
	vm14 =	vgt.s32 v8, $0x0;
	vm15 =	vgt.s32 v8, $0x3  }
0x50: {  	vm4 =	vgt.s32 v8, $0x8;
	v36 =	vsel vm14, $0x1, v0;
	v37 =	vsel vm15, $0x1, v0  }
0x51: {  	vm5 =	vgt.s32 v8, $0xF;
	v38 =	vsel vm4, $0x1, v0;
	v11 =	vadd.s32 v37, v36  }
0x52: {  	vm6 =	vgt.s32 v8, $0x18;
	v39 =	vsel vm5, $0x1, v0;
	v11 =	vadd.s32 v38, v11  }
0x53: {  	vm7 =	vgt.s32 v8, $0x23;
	v40 =	vsel vm6, $0x1, v0;
	v11 =	vadd.s32 v39, v11  }
0x54: {  	v44 =	vmulhi.u32 $0x8D3DCB09, v43;
	v42 =	vsel vm7, $0x1, v0;
	v41 =	vadd.s32 v40, v11  }
0x55: {  	vm9 =	vgt.u32 v18, $0x73;
	v3 =	vsub.s32 v24, v3;
	v8 =	vadd.s32 v42, v41  }
0x56: {  	vm12 =	vgt.u32 v18, $0x2D4;
	v29 =	vsel vm9, $0x1, v0;
	vm10 =	veq.s32 v5, v8  }
0x57: {  	vm13 =	vgt.u32 v24, $0x413;
	v6 =	vadd.s32 v30, v29;
	vm11 =	vmand vm1, vm10  }
0x58: {  	v47 =	vshrl.u32 v44, $0x4;
	v6 =	vadd.s32 v28, v6;
	v5 =	vnsel vm11, $0x3F800000, v45  }
0x59: {  	v32 =	vsel vm12, $0x1, v0;
	v9 =	vmul.u32 $0x1D, v47;
	v6 =	vadd.s32 v31, v6;
	[tilespmem:$0x110] =	vst v5  }
0x5a: {  	s31 =	sadd.s32 $0x50, s4;
	v61 =	vbroadcast v55, $0x0;
	v34 =	vsel vm13, $0x1, v0;
	v6 =	vadd.s32 v32, v6;
	v3 =	vld.idx.msk [tilespmem:v3+s5+$0x0], $0xffff  }
0x5b: {  	v33 =	vmov s31;
	v49 =	vsub.s32 v43, v9;
	v4 =	vadd.s32 v34, v6  }
0x5c: {  	v18 =	vor.u32 v1, v61;
	vm9 =	veq.s32 v4, $0x5;
	vm12 =	veq.s32 v4, $0x4  }
0x5d: {  	vm13 =	veq.s32 v4, $0x3;
	vm0 =	vgt.u32 v4, $0x2;
	v46 =	vsel vm9, $0x3FBDDACC, v2  }
0x5e: {  	vm14 =	vgt.u32 v35, $0x1C;
	vm15 =	vgt.u32 v35, $0x73;
	v8 =	vsel vm12, $0x3FABBAE3, v46  }
0x5f: {  	v48 =	vsel vm13, $0x3F97739F, v8;
	vm8 =	vgt.s32 v3, $0x0;
	vm9 =	vgt.s32 v3, $0x3  }
0x60: {  	vm10 =	vgt.s32 v3, $0x8;
	v56 =	vsel vm8, $0x1, v0;
	v57 =	vsel vm9, $0x1, v0  }
0x61: {  	vm11 =	vgt.s32 v3, $0xF;
	v58 =	vsel vm10, $0x1, v0;
	v12 =	vadd.s32 v57, v56  }
0x62: {  	vm12 =	vgt.s32 v3, $0x18;
	v59 =	vsel vm11, $0x1, v0;
	v12 =	vadd.s32 v58, v12  }
0x63: {  	vm13 =	vgt.s32 v3, $0x23;
	v60 =	vsel vm12, $0x1, v0;
	v12 =	vadd.s32 v59, v12  }
0x64: {  	vm4 =	vgt.u32 v35, $0x104;
	v63 =	vsel vm13, $0x1, v0;
	v62 =	vadd.s32 v60, v12  }
0x65: {  	vm5 =	vgt.u32 v10, $0x1CF;
	vm6 =	vgt.u32 v35, $0x2D4;
	v17 =	vadd.s32 v63, v62  }
0x66: {  	v50 =	vsel vm14, $0x1, v0;
	v51 =	vsel vm15, $0x1, v0;
	vm14 =	veq.s32 v4, v17  }
0x67: {  	v53 =	vsel vm5, $0x1, v0;
	vm15 =	vlt.s32 v18, $0x58C;
	vm0 =	vmand vm0, vm14  }
0x68: {  	v54 =	vadd.s32 v53, v51;
	v20 =	vnsel vm15, $0x58C, v18;
	v5 =	vnsel vm0, $0x3F800000, v48  }
0x69: {  	v52 =	vsel vm4, $0x1, v0;
	v6 =	vadd.s32 v50, v54;
	v21 =	vmulhi.u32 $0x8D3DCB09, v20;
	[tilespmem:$0x120] =	vst v5  }
0x6a: {  	vm7 =	vgt.u32 v43, $0x413;
	v7 =	vsel vm6, $0x1, v0;
	v6 =	vadd.s32 v52, v6;
	v8 =	vld.idx.msk [tilespmem:v49+s5+$0x0], $0xffff  }
0x6b: {  	v35 =	vbroadcast v33, $0x0;
	v19 =	vadd.s32 v7, v6;
	v7 =	vshrl.u32 v21, $0x4  }
0x6c: {  	v16 =	vsel vm7, $0x1, v0;
	vm7 =	vgt.u32 v18, $0x1C;
	v7 =	vmul.u32 $0x1D, v7  }
0x6d: {  	v23 =	vsel vm7, $0x1, v0;
	vm7 =	vgt.u32 v18, $0x2D4;
	vm8 =	vgt.u32 v18, $0x73  }
0x6e: {  	v7 =	vsub.s32 v20, v7;
	v24 =	vsel vm8, $0x1, v0;
	v4 =	vadd.s32 v16, v19  }
0x6f: {  	vm4 =	veq.s32 v4, $0x5;
	vm10 =	vgt.s32 v8, $0x0;
	vm11 =	vgt.s32 v8, $0x3  }
0x70: {  	vm12 =	vgt.s32 v8, $0x8;
	v25 =	vsel vm10, $0x1, v0;
	v26 =	vsel vm11, $0x1, v0  }
0x71: {  	vm13 =	vgt.s32 v8, $0xF;
	v27 =	vsel vm12, $0x1, v0;
	v12 =	vadd.s32 v26, v25  }
0x72: {  	vm14 =	vgt.s32 v8, $0x18;
	v28 =	vsel vm13, $0x1, v0;
	v12 =	vadd.s32 v27, v12  }
0x73: {  	vm15 =	vgt.s32 v8, $0x23;
	v29 =	vsel vm14, $0x1, v0;
	v12 =	vadd.s32 v28, v12  }
0x74: {  	vm5 =	veq.s32 v4, $0x4;
	v8 =	vsel vm15, $0x1, v0;
	v30 =	vadd.s32 v29, v12  }
0x75: {  	vm6 =	veq.s32 v4, $0x3;
	v22 =	vsel vm4, $0x3FBDDACC, v2;
	v3 =	vadd.s32 v8, v30  }
0x76: {  	vm0 =	vgt.u32 v4, $0x2;
	v5 =	vsel vm5, $0x3FABBAE3, v22;
	vm8 =	veq.s32 v4, v3  }
0x77: {  	v5 =	vsel vm6, $0x3F97739F, v5;
	vm6 =	vgt.u32 v61, $0x1CF;
	vm0 =	vmand vm0, vm8  }
0x78: {  	v1 =	vor.u32 v1, v35;
	v32 =	vsel vm6, $0x1, v0;
	v5 =	vnsel vm0, $0x3F800000, v5  }
0x79: {  	v36 =	vsel vm7, $0x1, v0;
	vm9 =	vgt.u32 v18, $0x104;
	v34 =	vadd.s32 v32, v24;
	[tilespmem:$0x130] =	vst v5  }
0x7a: {  	v31 =	vsel vm9, $0x1, v0;
	vm10 =	vlt.s32 v1, $0x58C;
	v3 =	vadd.s32 v23, v34;
	v38 =	vld.idx.msk [tilespmem:v7+s5+$0x0], $0xffff  }
0x7b: {  	vm9 =	vgt.u32 v20, $0x413;
	v39 =	vnsel vm10, $0x58C, v1;
	v3 =	vadd.s32 v31, v3  }
0x7c: {  	v37 =	vsel vm9, $0x1, v0;
	v40 =	vmulhi.u32 $0x8D3DCB09, v39;
	v3 =	vadd.s32 v36, v3  }
0x7d: {  	v3 =	vadd.s32 v37, v3  }
0x7e: {  	vm11 =	veq.s32 v3, $0x5;
	vm12 =	veq.s32 v3, $0x4;
	v7 =	vshrl.u32 v40, $0x4  }
0x7f: {  	v7 =	vmul.u32 $0x1D, v7;
	vm13 =	vgt.s32 v38, $0x0;
	vm14 =	vgt.s32 v38, $0x3  }
0x80: {  	vm15 =	vgt.s32 v38, $0x8;
	v42 =	vsel vm13, $0x1, v0;
	v43 =	vsel vm14, $0x1, v0  }
0x81: {  	vm4 =	vgt.s32 v38, $0xF;
	v44 =	vsel vm15, $0x1, v0;
	v9 =	vadd.s32 v43, v42  }
0x82: {  	vm5 =	vgt.s32 v38, $0x18;
	v45 =	vsel vm4, $0x1, v0;
	v9 =	vadd.s32 v44, v9  }
0x83: {  	vm6 =	vgt.s32 v38, $0x23;
	v46 =	vsel vm5, $0x1, v0;
	v9 =	vadd.s32 v45, v9  }
0x84: {  	vm7 =	veq.s32 v3, $0x3;
	v48 =	vsel vm6, $0x1, v0;
	v47 =	vadd.s32 v46, v9  }
0x85: {  	v41 =	vsel vm11, $0x3FBDDACC, v2;
	v7 =	vsub.s32 v39, v7;
	v6 =	vadd.s32 v48, v47  }
0x86: {  	vm8 =	vgt.u32 v3, $0x2;
	v8 =	vsel vm12, $0x3FABBAE3, v41;
	vm10 =	veq.s32 v3, v6  }
0x87: {  	v8 =	vsel vm7, $0x3F97739F, v8;
	vm0 =	vmand vm8, vm10  }
0x88: {  	vm11 =	vgt.u32 v1, $0x73;
	vm12 =	vgt.u32 v35, $0x1CF;
	v50 =	vnsel vm0, $0x3F800000, v8  }
0x89: {  	vm9 =	vgt.u32 v1, $0x1C;
	v49 =	vsel vm11, $0x1, v0;
	v4 =	vsel vm12, $0x1, v0;
	[tilespmem:$0x140] =	vst v50  }
0x8a: {  	v51 =	vsel vm9, $0x1, v0;
	vm13 =	vgt.u32 v1, $0x104;
	v3 =	vadd.s32 v4, v49;
	v54 =	vld.idx.msk [tilespmem:v7+s5+$0x0], $0xffff  }
0x8b: {  	vm14 =	vgt.u32 v1, $0x2D4;
	v52 =	vsel vm13, $0x1, v0;
	v53 =	vadd.s32 v51, v3  }
0x8c: {  	vm15 =	vgt.u32 v39, $0x413;
	v55 =	vsel vm14, $0x1, v0;
	v1 =	vadd.s32 v52, v53  }
0x8d: {  	v56 =	vsel vm15, $0x1, v0;
	v1 =	vadd.s32 v55, v1  }
0x8e: {  	v1 =	vadd.s32 v56, v1  }
0x8f: {  	vm4 =	veq.s32 v1, $0x5;
	vm5 =	vgt.s32 v54, $0x0;
	vm6 =	vgt.s32 v54, $0x3  }
0x90: {  	vm7 =	vgt.s32 v54, $0x8;
	v57 =	vsel vm5, $0x1, v0;
	v58 =	vsel vm6, $0x1, v0  }
0x91: {  	vm8 =	vgt.s32 v54, $0xF;
	v59 =	vsel vm7, $0x1, v0;
	v4 =	vadd.s32 v58, v57  }
0x92: {  	vm9 =	vgt.s32 v54, $0x18;
	v60 =	vsel vm8, $0x1, v0;
	v4 =	vadd.s32 v59, v4  }
0x93: {  	vm10 =	vgt.s32 v54, $0x23;
	v61 =	vsel vm9, $0x1, v0;
	v4 =	vadd.s32 v60, v4  }
0x94: {  	vm11 =	veq.s32 v1, $0x4;
	v0 =	vsel vm10, $0x1, v0;
	v62 =	vadd.s32 v61, v4  }
0x95: {  	vm12 =	veq.s32 v1, $0x3;
	v2 =	vsel vm4, $0x3FBDDACC, v2;
	v0 =	vadd.s32 v0, v62  }
0x96: {  	vm13 =	vgt.u32 v1, $0x2;
	v2 =	vsel vm11, $0x3FABBAE3, v2;
	vm14 =	veq.s32 v1, v0  }
0x97: {  	p0 =	sgt.u32 s3, $0xD;
	v63 =	vsel vm12, $0x3F97739F, v2;
	vm15 =	vmand vm13, vm14  }
0x98: {  	s4 =	sshrl.u32 @!p0 s4, $0x3;
	v0 =	vnsel vm15, $0x3F800000, v63  }
0x99: {  	s4 =	sadd.s32 @!p0 s1, s4;
	s6 =	simm.s32 @!p0 $0x100;
	s5 =	simm.s32 @!p0 $0x0;
	[tilespmem:$0x150] =	vst v0  }
0x9a: {  	[hbm4b:s4+s5] =	stream.linear.scatter @!p0 [tilespmem:s6], [sflag:$0x1], $0x60, $0x38;
	[tilespmem:$0x180] =	vst v63  }
0x9b: {  	s4 =	simm.s32 @!p0 $0x1  }
0x9c: {  	_ =	swait.ge @!p0 [sflag:s4], $0x60  }
0x9d: {  	p1 =	seq.s32 s3, $0xF;
	[sflag:s4] =	ssyncset.done @!p0 $0x0  }
0x9e: {  	s5 =	simm.s32 @p1 $0x80;
	[sflag:s4] =	ssyncadd.s32 @!p0 $0xFFFFFFA0;
	s4 =	simm.s32 @p1 $0x0  }
0x9f: {  	[hbm4b:s2+s4] =	stream.linear.scatter @p1 [tilespmem:s5], [sflag:$0x1], $0x1D, $0x38;
	[tilespmem:$0x180] =	vst v63  }
0xa0: {  	s2 =	simm.s32 @p1 $0x1  }
0xa1: {  	p0 =	sne.s32 @!p1 s3, $0xE;
	_ =	swait.ge @p1 [sflag:s2], $0x1D  }
0xa2: {  	s1 =	sadd.s32 $0xA8, s1;
	p0 =	por p0, p1;
	[sflag:s2] =	ssyncset.done @p1 $0x0  }
0xa3: {  	s4 =	simm.s32 @!p0 $0x100;
	[sflag:s2] =	ssyncadd.s32 @p1 $0xFFFFFFE3;
	s2 =	simm.s32 @!p0 $0x0  }
0xa4: {  	[hbm4b:s1+s2] =	stream.linear.scatter @!p0 [tilespmem:s4], [sflag:$0x1], $0x4D, $0x38;
	[tilespmem:$0x180] =	vst v63  }
0xa5: {  	s1 =	simm.s32 @!p0 $0x1  }
0xa6: {  	_ =	swait.ge @!p0 [sflag:s1], $0x4D  }
0xa7: {  	[sflag:s1] =	ssyncset.done @!p0 $0x0  }
0xa8: {  	[sflag:s1] =	ssyncadd.s32 @!p0 $0xFFFFFFB3  }
0xa9: {  	_ =	sfence.sel $0x180000  }
0xaa: {  	[bflag:$0x0] =	sbarrier.arrive $0xFFFF  }
0xab: {  	p0 =	sne.s32 s3, $0x0;
	_ =	strace $0x90000047  }
0xac: {  	s0 =	sadd.s32 @!p0 $0x100000, s0;
	[bflag:$0x2] =	sbarrier.arrive $0xFFFF  }
0xad: {  	[sflag:s0] =	ssyncadd.tile.s32 @!p0 $0x1;
	_ =	shalt  }
.Lfunc_end2:
_tile_overlayer_lowered:
.L_overlay_start_2:
0xae: {  	(tag) =	ssettag $0x2  }
0xaf: {  	s0 =	rddreg [dreg:$0x0];
	s2 =	stileid.u32  }
0xb0: {  	s1 =	rddreg [dreg:$0x1];
	p0 =	sne.s32 s2, $0x0  }
0xb1: {  	s3 =	rddreg [dreg:$0x2];
	[bflag:$0x3] =	sbarrier.arrive $0xFFFF;
	s2 =	simm.s32 @!p0 $0x1C01  }
0xb2: {  	[timem:s3], [sflag:s2] =	dma.local @!p0 [hbm:s0], s1  }
0xb3: {  	s0 =	simm.s32 @!p0 $0x1  }
0xb4: {  	_ =	swait.ge @!p0 [sflag:s0], s1  }
0xb5: {  	s1 =	ssub.s32 @!p0 $0x0, s1;
	[sflag:s0] =	ssyncset.done @!p0 $0x0  }
0xb6: {  	[sflag:s0] =	ssyncadd.s32 @!p0 s1  }
0xb7: {  	[bflag:$0x3] =	sbarrier.arrive $0xFFFF  }
0xb8: {  	_ =	shalt  }

</sc_bundles>
